<compile_context>
chip_gen: v7x
topology: tpu7x:2x2x1
jax: 0.10.2.dev20260603
libtpu: 0.0.44.dev20260713+nightly
codegen_flags: <defaults>
</compile_context>

<pallas_src>
import functools

import jax
import jax.numpy as jnp
from jax import lax
from jax.experimental import pallas as pl
from jax.experimental.pallas import tpu as pltpu
from jax.experimental.pallas import tpu_sc as plsc

N = 320000
D = 128
H = 64
S = 10000
L = 16

BT = 6400


def _scores_body(x_ref, w1_ref, b1_ref, w2_ref, b2_ref, e_ref):
    x = x_ref[...]
    h = jnp.tanh(jnp.dot(x, w1_ref[...], preferred_element_type=jnp.float32)
                 + b1_ref[...])
    s = jnp.sum(h * w2_ref[...], axis=1, keepdims=True) + b2_ref[...]
    e_ref[...] = jnp.broadcast_to(jnp.exp(s), (BT, L))


def _scores(x, W1, b1r, W2r, b2r):
    return pl.pallas_call(
        _scores_body,
        grid=(N // BT,),
        in_specs=[
            pl.BlockSpec((BT, D), lambda i: (i, 0)),
            pl.BlockSpec((D, H), lambda i: (0, 0)),
            pl.BlockSpec((1, H), lambda i: (0, 0)),
            pl.BlockSpec((1, H), lambda i: (0, 0)),
            pl.BlockSpec((1, 1), lambda i: (0, 0)),
        ],
        out_specs=pl.BlockSpec((BT, L), lambda i: (i, 0)),
        out_shape=jax.ShapeDtypeStruct((N, L), jnp.float32),
    )(x, W1, b1r, W2r, b2r)


SUB = 64
QSUB = 2
SUP = SUB * QSUB
NSUP = N // SUP
NPAIR = ((NSUP + 15) // 16 + 1) // 2
NSUP_PAD = (2 * NPAIR + 1) * 16
SHALF = S // 2
SROWS = 5120
SEG_PER_SUB = SROWS // 16
ZCH = 64


def _sc_body(x_hbm, e_hbm, idx3_hbm, outR, outD, outC,
             xbuf0, xbuf1, ebuf0, ebuf1, ibuf0, ibuf1, sibuf0, sibuf1,
             denbuf, cntbuf, sem_x, sem_e, sem_i0, sem_i1, sem_s0, sem_s1,
             accR):
    c = lax.axis_index("c")
    sub = lax.axis_index("s")
    zeros16 = jnp.zeros((L,), jnp.float32)
    ones16 = jnp.ones((L,), jnp.float32)
    lane = lax.iota(jnp.int32, L)
    zeros16i = jnp.zeros((L,), jnp.int32)
    seg_lo = c * SHALF

    def zrow(i, carry):
        for g in range(D // L):
            xbuf0[i, pl.ds(g * L, L)] = zeros16
        return carry

    lax.fori_loop(0, ZCH, zrow, 0)

    def ztab(i, carry):
        denbuf[pl.ds(i * L, L)] = zeros16
        cntbuf[pl.ds(i * L, L)] = zeros16
        return carry

    lax.fori_loop(0, SROWS // L, ztab, 0)

    base0 = sub * SEG_PER_SUB
    for z in range(SEG_PER_SUB // ZCH):
        pltpu.sync_copy(xbuf0.at[pl.ds(0, ZCH)],
                        accR.at[pl.ds(base0 + z * ZCH, ZCH)])
    plsc.subcore_barrier()

    def iter_phase(j, xb, eb, ib, sib, sem_i, ibn, sem_in, sem_s, pend):
        m = sub + j * 16
        pltpu.make_async_copy(idx3_hbm.at[m], ib, sem_i).wait()
        pltpu.make_async_copy(idx3_hbm.at[m + 16], ibn, sem_in).start()
        first = ib[0, pl.ds(0, L)][0]
        last = ib[QSUB - 1, pl.ds(SUB - L, L)][L - 1]
        active = jnp.logical_and(last >= seg_lo, first < seg_lo + SHALF)

        @pl.when(active)
        def _active():
            @pl.when(pend > 0)
            def _drain():
                for q in range(QSUB):
                    pltpu.make_async_copy(x_hbm.at[pl.ds(0, SUB)],
                                          xb.at[pl.ds(q * SUB, SUB)],
                                          sem_s).wait()

            tbase = m * SUP
            cx = pltpu.make_async_copy(x_hbm.at[pl.ds(tbase, SUP)], xb, sem_x)
            ce = pltpu.make_async_copy(e_hbm.at[pl.ds(tbase, SUP)], eb, sem_e)
            cx.start()
            ce.start()
            ce.wait()
            for q in range(QSUB):
                for g in range(SUB // L):
                    iv = ib[q, pl.ds(g * L, L)] - seg_lo
                    ok = jnp.logical_and(iv >= 0, iv < SHALF)
                    ivc = jnp.where(ok, iv, SHALF)
                    sib[q, pl.ds(g * L, L)] = ivc
                    ev = plsc.load_gather(
                        eb, [lane + (q * SUB + g * L), zeros16i])
                    plsc.addupdate_scatter(denbuf, [ivc], ev)
                    plsc.addupdate_scatter(cntbuf, [ivc], ones16)

            cx.wait()

            def tok(t, inner):
                es = eb[t, :]
                for g in range(D // L):
                    xv = xb[t, pl.ds(g * L, L)]
                    xb[t, pl.ds(g * L, L)] = xv * es
                return inner

            lax.fori_loop(0, SUP, tok, 0)
            for q in range(QSUB):
                pltpu.async_copy(xb.at[pl.ds(q * SUB, SUB)],
                                 accR.at[sib.at[q]], sem_s, add=True)

        return jnp.where(active, jnp.int32(QSUB), pend)

    pltpu.make_async_copy(idx3_hbm.at[sub], ibuf0, sem_i0).start()

    def pair(t, carry):
        pend0, pend1 = carry
        pend0 = iter_phase(2 * t, xbuf0, ebuf0, ibuf0, sibuf0, sem_i0,
                           ibuf1, sem_i1, sem_s0, pend0)
        pend1 = iter_phase(2 * t + 1, xbuf1, ebuf1, ibuf1, sibuf1, sem_i1,
                           ibuf0, sem_i0, sem_s1, pend1)
        return (pend0, pend1)

    pend0, pend1 = lax.fori_loop(0, NPAIR, pair,
                                 (jnp.int32(0), jnp.int32(0)))
    pltpu.make_async_copy(idx3_hbm.at[sub + 2 * NPAIR * 16], ibuf0,
                          sem_i0).wait()

    @pl.when(pend0 > 0)
    def _drain0():
        for q in range(QSUB):
            pltpu.make_async_copy(x_hbm.at[pl.ds(0, SUB)],
                                  xbuf0.at[pl.ds(q * SUB, SUB)], sem_s0).wait()

    @pl.when(pend1 > 0)
    def _drain1():
        for q in range(QSUB):
            pltpu.make_async_copy(x_hbm.at[pl.ds(0, SUB)],
                                  xbuf1.at[pl.ds(q * SUB, SUB)], sem_s1).wait()

    plsc.subcore_barrier()

    for z in range(SEG_PER_SUB // ZCH):
        pltpu.sync_copy(accR.at[pl.ds(base0 + z * ZCH, ZCH)],
                        xbuf0.at[pl.ds(0, ZCH)])
        pltpu.sync_copy(xbuf0.at[pl.ds(0, ZCH)],
                        outR.at[c].at[pl.ds(base0 + z * ZCH, ZCH)])
    pltpu.sync_copy(denbuf, outD.at[c, sub])
    pltpu.sync_copy(cntbuf, outC.at[c, sub])


@functools.lru_cache(maxsize=1)
def _sc_accumulate():
    mesh = plsc.VectorSubcoreMesh(core_axis_name="c", subcore_axis_name="s")
    return pl.kernel(
        _sc_body,
        out_type=[jax.ShapeDtypeStruct((2, SROWS, D), jnp.float32),
                  jax.ShapeDtypeStruct((2, 16, SROWS), jnp.float32),
                  jax.ShapeDtypeStruct((2, 16, SROWS), jnp.float32)],
        mesh=mesh,
        compiler_params=pltpu.CompilerParams(needs_layout_passes=False),
        scratch_types=[
            pltpu.VMEM((SUP, D), jnp.float32),
            pltpu.VMEM((SUP, D), jnp.float32),
            pltpu.VMEM((SUP, L), jnp.float32),
            pltpu.VMEM((SUP, L), jnp.float32),
            pltpu.VMEM((QSUB, SUB), jnp.int32),
            pltpu.VMEM((QSUB, SUB), jnp.int32),
            pltpu.VMEM((QSUB, SUB), jnp.int32),
            pltpu.VMEM((QSUB, SUB), jnp.int32),
            pltpu.VMEM((SROWS,), jnp.float32),
            pltpu.VMEM((SROWS,), jnp.float32),
            pltpu.SemaphoreType.DMA,
            pltpu.SemaphoreType.DMA,
            pltpu.SemaphoreType.DMA,
            pltpu.SemaphoreType.DMA,
            pltpu.SemaphoreType.DMA,
            pltpu.SemaphoreType.DMA,
            pltpu.VMEM_SHARED((SROWS, D), jnp.float32),
        ],
    )


def _fin_body(r_ref, d_ref, c_ref, o_ref):
    r = r_ref[0]
    den = jnp.sum(d_ref[0], axis=0)
    cnt = jnp.sum(c_ref[0], axis=0)
    scale = 1.0 / (jnp.maximum(den, 1e-38) * jnp.maximum(cnt, 1.0))
    o_ref[...] = (r * scale[:, None])[:SHALF]


def _finalize(accR, outD, outC):
    return pl.pallas_call(
        _fin_body,
        grid=(2,),
        in_specs=[
            pl.BlockSpec((1, SROWS, D), lambda i: (i, 0, 0)),
            pl.BlockSpec((1, 16, SROWS), lambda i: (i, 0, 0)),
            pl.BlockSpec((1, 16, SROWS), lambda i: (i, 0, 0)),
        ],
        out_specs=pl.BlockSpec((SHALF, D), lambda i: (i, 0)),
        out_shape=jax.ShapeDtypeStruct((S, D), jnp.float32),
    )(accR, outD, outC)


def kernel(x, batch, W1, b1, W2, b2):
    idx = batch.astype(jnp.int32)
    e = _scores(x, W1, b1.reshape(1, H), W2.reshape(1, H), b2.reshape(1, 1))
    idx_pad = jnp.concatenate(
        [idx, jnp.full((NSUP_PAD * SUP - N,), S, jnp.int32)])
    accR, outD, outC = _sc_accumulate()(
        x, e, idx_pad.reshape(NSUP_PAD, QSUB, SUB))
    return _finalize(accR, outD, outC)

# --- scband reference (transcript-rebuilt; emitter-appended) ---
"""Pipeline reference for scband-attention-pooling-29686813950821 (READ-ONLY COPY).

The authoritative reference and input builder live on the scoring server;
editing this copy changes nothing except your own understanding.
"""

import jax, jax.numpy as jnp
import numpy as np

NUM_SEGMENTS = 10000


def setup_inputs(seed: int = 0) -> dict:
    key = jax.random.key(seed)
    k1, k2, k3, k4, k5, k6 = jax.random.split(key, 6)
    N, D = 320000, 128
    H = D // 2
    x = jax.random.normal(k1, (N, D), dtype=jnp.float32)
    batch = jnp.sort(jax.random.randint(k2, (N,), 0, NUM_SEGMENTS, dtype=jnp.int64))
    # Linear(D, H) params (stored transposed for x @ W)
    W1 = jax.random.uniform(k3, (D, H), dtype=jnp.float32, minval=-1.0, maxval=1.0) / np.sqrt(D)
    b1 = jax.random.uniform(k4, (H,), dtype=jnp.float32, minval=-1.0, maxval=1.0) / np.sqrt(D)
    # Linear(H, 1) params
    W2 = jax.random.uniform(k5, (H, 1), dtype=jnp.float32, minval=-1.0, maxval=1.0) / np.sqrt(H)
    b2 = jax.random.uniform(k6, (1,), dtype=jnp.float32, minval=-1.0, maxval=1.0) / np.sqrt(H)
    return {"x": x, "batch": batch, "W1": W1, "b1": b1, "W2": W2, "b2": b2}


def reference(x, batch, W1, b1, W2, b2):
    # attention MLP: Linear -> Tanh -> Linear -> scalar score per token
    h = jnp.tanh(x @ W1 + b1)
    scores = h @ W2 + b2  # [N, 1]
    # per-segment softmax over scores (dim=0 within each segment)
    seg_max = jax.ops.segment_max(scores, batch, num_segments=NUM_SEGMENTS)
    seg_max = jnp.where(jnp.isfinite(seg_max), seg_max, jnp.zeros_like(seg_max))
    shifted = scores - seg_max[batch]
    e = jnp.exp(shifted)
    denom = jax.ops.segment_sum(e, batch, num_segments=NUM_SEGMENTS)
    weights = e / jnp.maximum(denom[batch], 1e-38)
    weighted = weights * x  # [N, D]
    # global_mean_pool: per-segment mean
    sums = jax.ops.segment_sum(weighted, batch, num_segments=NUM_SEGMENTS)
    counts = jax.ops.segment_sum(jnp.ones((x.shape[0], 1), dtype=x.dtype), batch, num_segments=NUM_SEGMENTS)
    return sums / jnp.maximum(counts, 1.0)

if __name__ == "__main__":
    import jax
    _d = setup_inputs()
    print(jax.jit(kernel)(*tuple(_d.values())))

</pallas_src>

<mosaic_0001>
#map = affine_map<(d0, d1) -> (0, 0)>
#map1 = affine_map<(d0, d1) -> (0, 0, 0)>
module attributes {stable_mosaic.version = 14 : i64} {
  func.func @_sc_body(%arg0: i32, %arg1: i32, %arg2: memref<320000x128xf32, #tpu.memory_space<hbm>>, %arg3: memref<320000x16xf32, #tpu.memory_space<hbm>>, %arg4: memref<2544x2x64xi32, #tpu.memory_space<hbm>>, %arg5: memref<2x5120x128xf32, #tpu.memory_space<hbm>>, %arg6: memref<2x16x5120xf32, #tpu.memory_space<hbm>>, %arg7: memref<2x16x5120xf32, #tpu.memory_space<hbm>>, %arg8: memref<128x128xf32, #tpu.memory_space<vmem>>, %arg9: memref<128x128xf32, #tpu.memory_space<vmem>>, %arg10: memref<128x16xf32, #tpu.memory_space<vmem>>, %arg11: memref<128x16xf32, #tpu.memory_space<vmem>>, %arg12: memref<2x64xi32, #tpu.memory_space<vmem>>, %arg13: memref<2x64xi32, #tpu.memory_space<vmem>>, %arg14: memref<2x64xi32, #tpu.memory_space<vmem>>, %arg15: memref<2x64xi32, #tpu.memory_space<vmem>>, %arg16: memref<5120xf32, #tpu.memory_space<vmem>>, %arg17: memref<5120xf32, #tpu.memory_space<vmem>>, %arg18: memref<!tpu.dma_semaphore, #tpu.memory_space<semaphore_mem>>, %arg19: memref<!tpu.dma_semaphore, #tpu.memory_space<semaphore_mem>>, %arg20: memref<!tpu.dma_semaphore, #tpu.memory_space<semaphore_mem>>, %arg21: memref<!tpu.dma_semaphore, #tpu.memory_space<semaphore_mem>>, %arg22: memref<!tpu.dma_semaphore, #tpu.memory_space<semaphore_mem>>, %arg23: memref<!tpu.dma_semaphore, #tpu.memory_space<semaphore_mem>>, %arg24: memref<5120x128xf32, #tpu.memory_space<vmem_shared>>) attributes {dimension_semantics = [#tpu.dimension_semantics<core_parallel>, #tpu.dimension_semantics<subcore_parallel>], iteration_bounds = array<i64: 2, 16>, scalar_prefetch = 0 : i64, scratch_operands = 17 : i64, tpu.core_type = #tpu.core_type<sc_vector_subcore>, window_params = [{transform_indices = #map}, {transform_indices = #map}, {transform_indices = #map1}, {transform_indices = #map1}, {transform_indices = #map1}, {transform_indices = #map1}]} {
    %broadcast_in_dim3A = arith.constant 0.000000e+00 : f32
    %broadcast_in_dim3A_0 = vector.broadcast %broadcast_in_dim3A : f32 to vector<16xf32>
    %broadcast_in_dim3A_1 = arith.constant 1.000000e+00 : f32
    %broadcast_in_dim3A_2 = vector.broadcast %broadcast_in_dim3A_1 : f32 to vector<16xf32>
    %iota3A = tpu.iota {dimensions = array<i32: 0>} : vector<16xi32>
    %broadcast_in_dim3A_3 = arith.constant 0 : i32
    %broadcast_in_dim3A_4 = vector.broadcast %broadcast_in_dim3A_3 : i32 to vector<16xi32>
    %mul3A = arith.constant 5000 : i32
    %mul3A_5 = arith.muli %arg0, %mul3A : i32
    %scan3A = arith.constant 0 : i32
    %scan3A_6 = arith.constant 0 : i32
    %scan3A_7 = arith.constant 64 : i32
    %scan3A_8 = arith.addi %scan3A_6, %scan3A_7 : i32
    %scan3A_9 = arith.constant 1 : i32
    scf.for %scan3A_80 = %scan3A_6 to %scan3A_8 step %scan3A_9  : i32 {
      %swap3A = arith.index_cast %scan3A_80 : i32 to index
      %swap3A_81 = arith.constant 0 : index
      %swap3A_82 = tpu.vector_load %arg8[%swap3A, %swap3A_81] {strides = array<i32>} : memref<128x128xf32, #tpu.memory_space<vmem>>, vector<16xf32>,
      tpu.vector_store %arg8[%swap3A, %swap3A_81], %broadcast_in_dim3A_0 {strides = array<i32>} : memref<128x128xf32, #tpu.memory_space<vmem>>, vector<16xf32>,
      %swap3A_83 = arith.index_cast %scan3A_80 : i32 to index
      %swap3A_84 = arith.constant 16 : index
      %swap3A_85 = tpu.vector_load %arg8[%swap3A_83, %swap3A_84] {strides = array<i32>} : memref<128x128xf32, #tpu.memory_space<vmem>>, vector<16xf32>,
      tpu.vector_store %arg8[%swap3A_83, %swap3A_84], %broadcast_in_dim3A_0 {strides = array<i32>} : memref<128x128xf32, #tpu.memory_space<vmem>>, vector<16xf32>,
      %swap3A_86 = arith.index_cast %scan3A_80 : i32 to index
      %swap3A_87 = arith.constant 32 : index
      %swap3A_88 = tpu.vector_load %arg8[%swap3A_86, %swap3A_87] {strides = array<i32>} : memref<128x128xf32, #tpu.memory_space<vmem>>, vector<16xf32>,
      tpu.vector_store %arg8[%swap3A_86, %swap3A_87], %broadcast_in_dim3A_0 {strides = array<i32>} : memref<128x128xf32, #tpu.memory_space<vmem>>, vector<16xf32>,
      %swap3A_89 = arith.index_cast %scan3A_80 : i32 to index
      %swap3A_90 = arith.constant 48 : index
      %swap3A_91 = tpu.vector_load %arg8[%swap3A_89, %swap3A_90] {strides = array<i32>} : memref<128x128xf32, #tpu.memory_space<vmem>>, vector<16xf32>,
      tpu.vector_store %arg8[%swap3A_89, %swap3A_90], %broadcast_in_dim3A_0 {strides = array<i32>} : memref<128x128xf32, #tpu.memory_space<vmem>>, vector<16xf32>,
      %swap3A_92 = arith.index_cast %scan3A_80 : i32 to index
      %swap3A_93 = arith.constant 64 : index
      %swap3A_94 = tpu.vector_load %arg8[%swap3A_92, %swap3A_93] {strides = array<i32>} : memref<128x128xf32, #tpu.memory_space<vmem>>, vector<16xf32>,
      tpu.vector_store %arg8[%swap3A_92, %swap3A_93], %broadcast_in_dim3A_0 {strides = array<i32>} : memref<128x128xf32, #tpu.memory_space<vmem>>, vector<16xf32>,
      %swap3A_95 = arith.index_cast %scan3A_80 : i32 to index
      %swap3A_96 = arith.constant 80 : index
      %swap3A_97 = tpu.vector_load %arg8[%swap3A_95, %swap3A_96] {strides = array<i32>} : memref<128x128xf32, #tpu.memory_space<vmem>>, vector<16xf32>,
      tpu.vector_store %arg8[%swap3A_95, %swap3A_96], %broadcast_in_dim3A_0 {strides = array<i32>} : memref<128x128xf32, #tpu.memory_space<vmem>>, vector<16xf32>,
      %swap3A_98 = arith.index_cast %scan3A_80 : i32 to index
      %swap3A_99 = arith.constant 96 : index
      %swap3A_100 = tpu.vector_load %arg8[%swap3A_98, %swap3A_99] {strides = array<i32>} : memref<128x128xf32, #tpu.memory_space<vmem>>, vector<16xf32>,
      tpu.vector_store %arg8[%swap3A_98, %swap3A_99], %broadcast_in_dim3A_0 {strides = array<i32>} : memref<128x128xf32, #tpu.memory_space<vmem>>, vector<16xf32>,
      %swap3A_101 = arith.index_cast %scan3A_80 : i32 to index
      %swap3A_102 = arith.constant 112 : index
      %swap3A_103 = tpu.vector_load %arg8[%swap3A_101, %swap3A_102] {strides = array<i32>} : memref<128x128xf32, #tpu.memory_space<vmem>>, vector<16xf32>,
      tpu.vector_store %arg8[%swap3A_101, %swap3A_102], %broadcast_in_dim3A_0 {strides = array<i32>} : memref<128x128xf32, #tpu.memory_space<vmem>>, vector<16xf32>,
    }
    %scan3A_10 = arith.constant 64 : i32
    %scan3A_11 = arith.constant 0 : i32
    %scan3A_12 = arith.constant 0 : i32
    %scan3A_13 = arith.constant 320 : i32
    %scan3A_14 = arith.addi %scan3A_12, %scan3A_13 : i32
    %scan3A_15 = arith.constant 1 : i32
    scf.for %scan3A_80 = %scan3A_12 to %scan3A_14 step %scan3A_15  : i32 {
      %mul3A_81 = arith.constant 16 : i32
      %mul3A_82 = arith.muli %scan3A_80, %mul3A_81 : i32
      %swap3A = arith.index_cast %mul3A_82 : i32 to index
      %swap3A_83 = tpu.vector_load %arg16[%swap3A] {strides = array<i32>} : memref<5120xf32, #tpu.memory_space<vmem>>, vector<16xf32>,
      tpu.vector_store %arg16[%swap3A], %broadcast_in_dim3A_0 {strides = array<i32>} : memref<5120xf32, #tpu.memory_space<vmem>>, vector<16xf32>,
      %mul3A_84 = arith.constant 16 : i32
      %mul3A_85 = arith.muli %scan3A_80, %mul3A_84 : i32
      %swap3A_86 = arith.index_cast %mul3A_85 : i32 to index
      %swap3A_87 = tpu.vector_load %arg17[%swap3A_86] {strides = array<i32>} : memref<5120xf32, #tpu.memory_space<vmem>>, vector<16xf32>,
      tpu.vector_store %arg17[%swap3A_86], %broadcast_in_dim3A_0 {strides = array<i32>} : memref<5120xf32, #tpu.memory_space<vmem>>, vector<16xf32>,
    }
    %scan3A_16 = arith.constant 320 : i32
    %mul3A_17 = arith.constant 320 : i32
    %mul3A_18 = arith.muli %arg1, %mul3A_17 : i32
    %add3A = arith.constant 0 : i32
    %add3A_19 = arith.addi %mul3A_18, %add3A : i32
    "tpu.region"() ({
      %run_scoped3A = tpu.sem_alloc : memref<!tpu.dma_semaphore, #tpu.memory_space<semaphore_mem>>
      %dma_start3A_80 = arith.constant 0 : i32
      %dma_start3A_81 = arith.constant 0 : i32
      %dma_start3A_82 = tpu.memref_slice %arg8[%dma_start3A_80, %dma_start3A_81] : memref<128x128xf32, #tpu.memory_space<vmem>> -> memref<64x128xf32, #tpu.memory_space<vmem>>
      %dma_start3A_83 = arith.constant 0 : i32
      %dma_start3A_84 = tpu.memref_slice %arg24[%add3A_19, %dma_start3A_83] : memref<5120x128xf32, #tpu.memory_space<vmem_shared>> -> memref<64x128xf32, #tpu.memory_space<vmem_shared>>
      %dma_start3A_85 = arith.constant 0 : i32
      %dma_start3A_86 = tpu.memref_slice %arg24[%add3A_19, %dma_start3A_85] : memref<5120x128xf32, #tpu.memory_space<vmem_shared>> -> memref<64x128xf32, #tpu.memory_space<vmem_shared>>
      %dma_start3A_87 = arith.constant 0 : i32
      %dma_start3A_88 = arith.constant 0 : i32
      %dma_start3A_89 = tpu.memref_slice %arg8[%dma_start3A_87, %dma_start3A_88] : memref<128x128xf32, #tpu.memory_space<vmem>> -> memref<64x128xf32, #tpu.memory_space<vmem>>
      tpu.enqueue_dma source(%dma_start3A_89 : memref<64x128xf32, #tpu.memory_space<vmem>>) target(%dma_start3A_86 : memref<64x128xf32, #tpu.memory_space<vmem_shared>>) target_semaphore(%run_scoped3A : memref<!tpu.dma_semaphore, #tpu.memory_space<semaphore_mem>>)
      %dma_wait3A_90 = arith.constant 0 : i32
      %dma_wait3A_91 = arith.constant 0 : i32
      %dma_wait3A_92 = tpu.memref_slice %arg8[%dma_wait3A_90, %dma_wait3A_91] : memref<128x128xf32, #tpu.memory_space<vmem>> -> memref<64x128xf32, #tpu.memory_space<vmem>>
      %dma_wait3A_93 = arith.constant 0 : i32
      %dma_wait3A_94 = tpu.memref_slice %arg24[%add3A_19, %dma_wait3A_93] : memref<5120x128xf32, #tpu.memory_space<vmem_shared>> -> memref<64x128xf32, #tpu.memory_space<vmem_shared>>
      %dma_wait3A_95 = arith.constant 0 : i32
      %dma_wait3A_96 = tpu.memref_slice %arg24[%add3A_19, %dma_wait3A_95] : memref<5120x128xf32, #tpu.memory_space<vmem_shared>> -> memref<64x128xf32, #tpu.memory_space<vmem_shared>>
      %dma_wait3A_97 = arith.constant 0 : i32
      %dma_wait3A_98 = arith.constant 0 : i32
      %dma_wait3A_99 = tpu.memref_slice %arg8[%dma_wait3A_97, %dma_wait3A_98] : memref<128x128xf32, #tpu.memory_space<vmem>> -> memref<64x128xf32, #tpu.memory_space<vmem>>
      tpu.wait_dma2 semaphore(%run_scoped3A : memref<!tpu.dma_semaphore, #tpu.memory_space<semaphore_mem>>) src(%dma_wait3A_99 : memref<64x128xf32, #tpu.memory_space<vmem>>) dst(%dma_wait3A_96 : memref<64x128xf32, #tpu.memory_space<vmem_shared>>)
      tpu.yield
    }) : () -> ()
    %add3A_20 = arith.constant 64 : i32
    %add3A_21 = arith.addi %mul3A_18, %add3A_20 : i32
    "tpu.region"() ({
      %run_scoped3A = tpu.sem_alloc : memref<!tpu.dma_semaphore, #tpu.memory_space<semaphore_mem>>
      %dma_start3A_80 = arith.constant 0 : i32
      %dma_start3A_81 = arith.constant 0 : i32
      %dma_start3A_82 = tpu.memref_slice %arg8[%dma_start3A_80, %dma_start3A_81] : memref<128x128xf32, #tpu.memory_space<vmem>> -> memref<64x128xf32, #tpu.memory_space<vmem>>
      %dma_start3A_83 = arith.constant 0 : i32
      %dma_start3A_84 = tpu.memref_slice %arg24[%add3A_21, %dma_start3A_83] : memref<5120x128xf32, #tpu.memory_space<vmem_shared>> -> memref<64x128xf32, #tpu.memory_space<vmem_shared>>
      %dma_start3A_85 = arith.constant 0 : i32
      %dma_start3A_86 = tpu.memref_slice %arg24[%add3A_21, %dma_start3A_85] : memref<5120x128xf32, #tpu.memory_space<vmem_shared>> -> memref<64x128xf32, #tpu.memory_space<vmem_shared>>
      %dma_start3A_87 = arith.constant 0 : i32
      %dma_start3A_88 = arith.constant 0 : i32
      %dma_start3A_89 = tpu.memref_slice %arg8[%dma_start3A_87, %dma_start3A_88] : memref<128x128xf32, #tpu.memory_space<vmem>> -> memref<64x128xf32, #tpu.memory_space<vmem>>
      tpu.enqueue_dma source(%dma_start3A_89 : memref<64x128xf32, #tpu.memory_space<vmem>>) target(%dma_start3A_86 : memref<64x128xf32, #tpu.memory_space<vmem_shared>>) target_semaphore(%run_scoped3A : memref<!tpu.dma_semaphore, #tpu.memory_space<semaphore_mem>>)
      %dma_wait3A_90 = arith.constant 0 : i32
      %dma_wait3A_91 = arith.constant 0 : i32
      %dma_wait3A_92 = tpu.memref_slice %arg8[%dma_wait3A_90, %dma_wait3A_91] : memref<128x128xf32, #tpu.memory_space<vmem>> -> memref<64x128xf32, #tpu.memory_space<vmem>>
      %dma_wait3A_93 = arith.constant 0 : i32
      %dma_wait3A_94 = tpu.memref_slice %arg24[%add3A_21, %dma_wait3A_93] : memref<5120x128xf32, #tpu.memory_space<vmem_shared>> -> memref<64x128xf32, #tpu.memory_space<vmem_shared>>
      %dma_wait3A_95 = arith.constant 0 : i32
      %dma_wait3A_96 = tpu.memref_slice %arg24[%add3A_21, %dma_wait3A_95] : memref<5120x128xf32, #tpu.memory_space<vmem_shared>> -> memref<64x128xf32, #tpu.memory_space<vmem_shared>>
      %dma_wait3A_97 = arith.constant 0 : i32
      %dma_wait3A_98 = arith.constant 0 : i32
      %dma_wait3A_99 = tpu.memref_slice %arg8[%dma_wait3A_97, %dma_wait3A_98] : memref<128x128xf32, #tpu.memory_space<vmem>> -> memref<64x128xf32, #tpu.memory_space<vmem>>
      tpu.wait_dma2 semaphore(%run_scoped3A : memref<!tpu.dma_semaphore, #tpu.memory_space<semaphore_mem>>) src(%dma_wait3A_99 : memref<64x128xf32, #tpu.memory_space<vmem>>) dst(%dma_wait3A_96 : memref<64x128xf32, #tpu.memory_space<vmem_shared>>)
      tpu.yield
    }) : () -> ()
    %add3A_22 = arith.constant 128 : i32
    %add3A_23 = arith.addi %mul3A_18, %add3A_22 : i32
    "tpu.region"() ({
      %run_scoped3A = tpu.sem_alloc : memref<!tpu.dma_semaphore, #tpu.memory_space<semaphore_mem>>
      %dma_start3A_80 = arith.constant 0 : i32
      %dma_start3A_81 = arith.constant 0 : i32
      %dma_start3A_82 = tpu.memref_slice %arg8[%dma_start3A_80, %dma_start3A_81] : memref<128x128xf32, #tpu.memory_space<vmem>> -> memref<64x128xf32, #tpu.memory_space<vmem>>
      %dma_start3A_83 = arith.constant 0 : i32
      %dma_start3A_84 = tpu.memref_slice %arg24[%add3A_23, %dma_start3A_83] : memref<5120x128xf32, #tpu.memory_space<vmem_shared>> -> memref<64x128xf32, #tpu.memory_space<vmem_shared>>
      %dma_start3A_85 = arith.constant 0 : i32
      %dma_start3A_86 = tpu.memref_slice %arg24[%add3A_23, %dma_start3A_85] : memref<5120x128xf32, #tpu.memory_space<vmem_shared>> -> memref<64x128xf32, #tpu.memory_space<vmem_shared>>
      %dma_start3A_87 = arith.constant 0 : i32
      %dma_start3A_88 = arith.constant 0 : i32
      %dma_start3A_89 = tpu.memref_slice %arg8[%dma_start3A_87, %dma_start3A_88] : memref<128x128xf32, #tpu.memory_space<vmem>> -> memref<64x128xf32, #tpu.memory_space<vmem>>
      tpu.enqueue_dma source(%dma_start3A_89 : memref<64x128xf32, #tpu.memory_space<vmem>>) target(%dma_start3A_86 : memref<64x128xf32, #tpu.memory_space<vmem_shared>>) target_semaphore(%run_scoped3A : memref<!tpu.dma_semaphore, #tpu.memory_space<semaphore_mem>>)
      %dma_wait3A_90 = arith.constant 0 : i32
      %dma_wait3A_91 = arith.constant 0 : i32
      %dma_wait3A_92 = tpu.memref_slice %arg8[%dma_wait3A_90, %dma_wait3A_91] : memref<128x128xf32, #tpu.memory_space<vmem>> -> memref<64x128xf32, #tpu.memory_space<vmem>>
      %dma_wait3A_93 = arith.constant 0 : i32
      %dma_wait3A_94 = tpu.memref_slice %arg24[%add3A_23, %dma_wait3A_93] : memref<5120x128xf32, #tpu.memory_space<vmem_shared>> -> memref<64x128xf32, #tpu.memory_space<vmem_shared>>
      %dma_wait3A_95 = arith.constant 0 : i32
      %dma_wait3A_96 = tpu.memref_slice %arg24[%add3A_23, %dma_wait3A_95] : memref<5120x128xf32, #tpu.memory_space<vmem_shared>> -> memref<64x128xf32, #tpu.memory_space<vmem_shared>>
      %dma_wait3A_97 = arith.constant 0 : i32
      %dma_wait3A_98 = arith.constant 0 : i32
      %dma_wait3A_99 = tpu.memref_slice %arg8[%dma_wait3A_97, %dma_wait3A_98] : memref<128x128xf32, #tpu.memory_space<vmem>> -> memref<64x128xf32, #tpu.memory_space<vmem>>
      tpu.wait_dma2 semaphore(%run_scoped3A : memref<!tpu.dma_semaphore, #tpu.memory_space<semaphore_mem>>) src(%dma_wait3A_99 : memref<64x128xf32, #tpu.memory_space<vmem>>) dst(%dma_wait3A_96 : memref<64x128xf32, #tpu.memory_space<vmem_shared>>)
      tpu.yield
    }) : () -> ()
    %add3A_24 = arith.constant 192 : i32
    %add3A_25 = arith.addi %mul3A_18, %add3A_24 : i32
    "tpu.region"() ({
      %run_scoped3A = tpu.sem_alloc : memref<!tpu.dma_semaphore, #tpu.memory_space<semaphore_mem>>
      %dma_start3A_80 = arith.constant 0 : i32
      %dma_start3A_81 = arith.constant 0 : i32
      %dma_start3A_82 = tpu.memref_slice %arg8[%dma_start3A_80, %dma_start3A_81] : memref<128x128xf32, #tpu.memory_space<vmem>> -> memref<64x128xf32, #tpu.memory_space<vmem>>
      %dma_start3A_83 = arith.constant 0 : i32
      %dma_start3A_84 = tpu.memref_slice %arg24[%add3A_25, %dma_start3A_83] : memref<5120x128xf32, #tpu.memory_space<vmem_shared>> -> memref<64x128xf32, #tpu.memory_space<vmem_shared>>
      %dma_start3A_85 = arith.constant 0 : i32
      %dma_start3A_86 = tpu.memref_slice %arg24[%add3A_25, %dma_start3A_85] : memref<5120x128xf32, #tpu.memory_space<vmem_shared>> -> memref<64x128xf32, #tpu.memory_space<vmem_shared>>
      %dma_start3A_87 = arith.constant 0 : i32
      %dma_start3A_88 = arith.constant 0 : i32
      %dma_start3A_89 = tpu.memref_slice %arg8[%dma_start3A_87, %dma_start3A_88] : memref<128x128xf32, #tpu.memory_space<vmem>> -> memref<64x128xf32, #tpu.memory_space<vmem>>
      tpu.enqueue_dma source(%dma_start3A_89 : memref<64x128xf32, #tpu.memory_space<vmem>>) target(%dma_start3A_86 : memref<64x128xf32, #tpu.memory_space<vmem_shared>>) target_semaphore(%run_scoped3A : memref<!tpu.dma_semaphore, #tpu.memory_space<semaphore_mem>>)
      %dma_wait3A_90 = arith.constant 0 : i32
      %dma_wait3A_91 = arith.constant 0 : i32
      %dma_wait3A_92 = tpu.memref_slice %arg8[%dma_wait3A_90, %dma_wait3A_91] : memref<128x128xf32, #tpu.memory_space<vmem>> -> memref<64x128xf32, #tpu.memory_space<vmem>>
      %dma_wait3A_93 = arith.constant 0 : i32
      %dma_wait3A_94 = tpu.memref_slice %arg24[%add3A_25, %dma_wait3A_93] : memref<5120x128xf32, #tpu.memory_space<vmem_shared>> -> memref<64x128xf32, #tpu.memory_space<vmem_shared>>
      %dma_wait3A_95 = arith.constant 0 : i32
      %dma_wait3A_96 = tpu.memref_slice %arg24[%add3A_25, %dma_wait3A_95] : memref<5120x128xf32, #tpu.memory_space<vmem_shared>> -> memref<64x128xf32, #tpu.memory_space<vmem_shared>>
      %dma_wait3A_97 = arith.constant 0 : i32
      %dma_wait3A_98 = arith.constant 0 : i32
      %dma_wait3A_99 = tpu.memref_slice %arg8[%dma_wait3A_97, %dma_wait3A_98] : memref<128x128xf32, #tpu.memory_space<vmem>> -> memref<64x128xf32, #tpu.memory_space<vmem>>
      tpu.wait_dma2 semaphore(%run_scoped3A : memref<!tpu.dma_semaphore, #tpu.memory_space<semaphore_mem>>) src(%dma_wait3A_99 : memref<64x128xf32, #tpu.memory_space<vmem>>) dst(%dma_wait3A_96 : memref<64x128xf32, #tpu.memory_space<vmem_shared>>)
      tpu.yield
    }) : () -> ()
    %add3A_26 = arith.constant 256 : i32
    %add3A_27 = arith.addi %mul3A_18, %add3A_26 : i32
    "tpu.region"() ({
      %run_scoped3A = tpu.sem_alloc : memref<!tpu.dma_semaphore, #tpu.memory_space<semaphore_mem>>
      %dma_start3A_80 = arith.constant 0 : i32
      %dma_start3A_81 = arith.constant 0 : i32
      %dma_start3A_82 = tpu.memref_slice %arg8[%dma_start3A_80, %dma_start3A_81] : memref<128x128xf32, #tpu.memory_space<vmem>> -> memref<64x128xf32, #tpu.memory_space<vmem>>
      %dma_start3A_83 = arith.constant 0 : i32
      %dma_start3A_84 = tpu.memref_slice %arg24[%add3A_27, %dma_start3A_83] : memref<5120x128xf32, #tpu.memory_space<vmem_shared>> -> memref<64x128xf32, #tpu.memory_space<vmem_shared>>
      %dma_start3A_85 = arith.constant 0 : i32
      %dma_start3A_86 = tpu.memref_slice %arg24[%add3A_27, %dma_start3A_85] : memref<5120x128xf32, #tpu.memory_space<vmem_shared>> -> memref<64x128xf32, #tpu.memory_space<vmem_shared>>
      %dma_start3A_87 = arith.constant 0 : i32
      %dma_start3A_88 = arith.constant 0 : i32
      %dma_start3A_89 = tpu.memref_slice %arg8[%dma_start3A_87, %dma_start3A_88] : memref<128x128xf32, #tpu.memory_space<vmem>> -> memref<64x128xf32, #tpu.memory_space<vmem>>
      tpu.enqueue_dma source(%dma_start3A_89 : memref<64x128xf32, #tpu.memory_space<vmem>>) target(%dma_start3A_86 : memref<64x128xf32, #tpu.memory_space<vmem_shared>>) target_semaphore(%run_scoped3A : memref<!tpu.dma_semaphore, #tpu.memory_space<semaphore_mem>>)
      %dma_wait3A_90 = arith.constant 0 : i32
      %dma_wait3A_91 = arith.constant 0 : i32
      %dma_wait3A_92 = tpu.memref_slice %arg8[%dma_wait3A_90, %dma_wait3A_91] : memref<128x128xf32, #tpu.memory_space<vmem>> -> memref<64x128xf32, #tpu.memory_space<vmem>>
      %dma_wait3A_93 = arith.constant 0 : i32
      %dma_wait3A_94 = tpu.memref_slice %arg24[%add3A_27, %dma_wait3A_93] : memref<5120x128xf32, #tpu.memory_space<vmem_shared>> -> memref<64x128xf32, #tpu.memory_space<vmem_shared>>
      %dma_wait3A_95 = arith.constant 0 : i32
      %dma_wait3A_96 = tpu.memref_slice %arg24[%add3A_27, %dma_wait3A_95] : memref<5120x128xf32, #tpu.memory_space<vmem_shared>> -> memref<64x128xf32, #tpu.memory_space<vmem_shared>>
      %dma_wait3A_97 = arith.constant 0 : i32
      %dma_wait3A_98 = arith.constant 0 : i32
      %dma_wait3A_99 = tpu.memref_slice %arg8[%dma_wait3A_97, %dma_wait3A_98] : memref<128x128xf32, #tpu.memory_space<vmem>> -> memref<64x128xf32, #tpu.memory_space<vmem>>
      tpu.wait_dma2 semaphore(%run_scoped3A : memref<!tpu.dma_semaphore, #tpu.memory_space<semaphore_mem>>) src(%dma_wait3A_99 : memref<64x128xf32, #tpu.memory_space<vmem>>) dst(%dma_wait3A_96 : memref<64x128xf32, #tpu.memory_space<vmem_shared>>)
      tpu.yield
    }) : () -> ()
    %barrier3A = arith.constant 0 : index
    tpu.barrier barrier_id(%barrier3A)
    %dma_start3A = arith.constant 0 : i32
    %dma_start3A_28 = arith.constant 0 : i32
    %dma_start3A_29 = tpu.memref_slice %arg4[%arg1, %dma_start3A, %dma_start3A_28] : memref<2544x2x64xi32, #tpu.memory_space<hbm>> -> memref<1x2x64xi32, #tpu.memory_space<hbm>>
    %dma_start3A_30 = tpu.memref_squeeze %dma_start3A_29 : memref<1x2x64xi32, #tpu.memory_space<hbm>> -> memref<2x64xi32, #tpu.memory_space<hbm>>
    %dma_start3A_31 = arith.constant 0 : i32
    %dma_start3A_32 = arith.constant 0 : i32
    %dma_start3A_33 = tpu.memref_slice %arg4[%arg1, %dma_start3A_31, %dma_start3A_32] : memref<2544x2x64xi32, #tpu.memory_space<hbm>> -> memref<1x2x64xi32, #tpu.memory_space<hbm>>
    %dma_start3A_34 = tpu.memref_squeeze %dma_start3A_33 : memref<1x2x64xi32, #tpu.memory_space<hbm>> -> memref<2x64xi32, #tpu.memory_space<hbm>>
    tpu.enqueue_dma source(%dma_start3A_34 : memref<2x64xi32, #tpu.memory_space<hbm>>) target(%arg12 : memref<2x64xi32, #tpu.memory_space<vmem>>) target_semaphore(%arg20 : memref<!tpu.dma_semaphore, #tpu.memory_space<semaphore_mem>>)
    %scan3A_35 = arith.constant 0 : i32
    %scan3A_36 = arith.constant 0 : i32
    %scan3A_37 = arith.constant 0 : i32
    %scan3A_38 = arith.constant 79 : i32
    %scan3A_39 = arith.addi %scan3A_37, %scan3A_38 : i32
    %scan3A_40 = arith.constant 1 : i32
    %scan3A_41:2 = scf.for %scan3A_80 = %scan3A_37 to %scan3A_39 step %scan3A_40 iter_args(%scan3A_81 = %scan3A_35, %scan3A_82 = %scan3A_36) -> (i32, i32)  : i32 {
      %mul3A_83 = arith.constant 2 : i32
      %mul3A_84 = arith.muli %mul3A_83, %scan3A_80 : i32
      %mul3A_85 = arith.constant 16 : i32
      %mul3A_86 = arith.muli %mul3A_84, %mul3A_85 : i32
      %add3A_87 = arith.addi %arg1, %mul3A_86 : i32
      %dma_wait3A_88 = arith.constant 0 : i32
      %dma_wait3A_89 = arith.constant 0 : i32
      %dma_wait3A_90 = tpu.memref_slice %arg4[%add3A_87, %dma_wait3A_88, %dma_wait3A_89] : memref<2544x2x64xi32, #tpu.memory_space<hbm>> -> memref<1x2x64xi32, #tpu.memory_space<hbm>>
      %dma_wait3A_91 = tpu.memref_squeeze %dma_wait3A_90 : memref<1x2x64xi32, #tpu.memory_space<hbm>> -> memref<2x64xi32, #tpu.memory_space<hbm>>
      %dma_wait3A_92 = arith.constant 0 : i32
      %dma_wait3A_93 = arith.constant 0 : i32
      %dma_wait3A_94 = tpu.memref_slice %arg4[%add3A_87, %dma_wait3A_92, %dma_wait3A_93] : memref<2544x2x64xi32, #tpu.memory_space<hbm>> -> memref<1x2x64xi32, #tpu.memory_space<hbm>>
      %dma_wait3A_95 = tpu.memref_squeeze %dma_wait3A_94 : memref<1x2x64xi32, #tpu.memory_space<hbm>> -> memref<2x64xi32, #tpu.memory_space<hbm>>
      tpu.wait_dma2 semaphore(%arg20 : memref<!tpu.dma_semaphore, #tpu.memory_space<semaphore_mem>>) src(%dma_wait3A_95 : memref<2x64xi32, #tpu.memory_space<hbm>>) dst(%arg12 : memref<2x64xi32, #tpu.memory_space<vmem>>)
      %add3A_96 = arith.constant 16 : i32
      %add3A_97 = arith.addi %add3A_87, %add3A_96 : i32
      %dma_start3A_98 = arith.constant 0 : i32
      %dma_start3A_99 = arith.constant 0 : i32
      %dma_start3A_100 = tpu.memref_slice %arg4[%add3A_97, %dma_start3A_98, %dma_start3A_99] : memref<2544x2x64xi32, #tpu.memory_space<hbm>> -> memref<1x2x64xi32, #tpu.memory_space<hbm>>
      %dma_start3A_101 = tpu.memref_squeeze %dma_start3A_100 : memref<1x2x64xi32, #tpu.memory_space<hbm>> -> memref<2x64xi32, #tpu.memory_space<hbm>>
      %dma_start3A_102 = arith.constant 0 : i32
      %dma_start3A_103 = arith.constant 0 : i32
      %dma_start3A_104 = tpu.memref_slice %arg4[%add3A_97, %dma_start3A_102, %dma_start3A_103] : memref<2544x2x64xi32, #tpu.memory_space<hbm>> -> memref<1x2x64xi32, #tpu.memory_space<hbm>>
      %dma_start3A_105 = tpu.memref_squeeze %dma_start3A_104 : memref<1x2x64xi32, #tpu.memory_space<hbm>> -> memref<2x64xi32, #tpu.memory_space<hbm>>
      tpu.enqueue_dma source(%dma_start3A_105 : memref<2x64xi32, #tpu.memory_space<hbm>>) target(%arg13 : memref<2x64xi32, #tpu.memory_space<vmem>>) target_semaphore(%arg21 : memref<!tpu.dma_semaphore, #tpu.memory_space<semaphore_mem>>)
      %get3A = arith.constant 0 : i32
      %get3A_106 = arith.index_cast %get3A : i32 to index
      %get3A_107 = arith.constant 0 : index
      %get3A_108 = tpu.vector_load %arg12[%get3A_106, %get3A_107] {strides = array<i32>} : memref<2x64xi32, #tpu.memory_space<vmem>>, vector<16xi32>,
      %slice3A = vector.extract_strided_slice %get3A_108 {offsets = [0], sizes = [1], strides = [1]} : vector<16xi32> to vector<1xi32>
      %squeeze3A = vector.extract %slice3A[0] : i32 from vector<1xi32>
      %get3A_109 = arith.constant 1 : i32
      %get3A_110 = arith.index_cast %get3A_109 : i32 to index
      %get3A_111 = arith.constant 48 : index
      %get3A_112 = tpu.vector_load %arg12[%get3A_110, %get3A_111] {strides = array<i32>} : memref<2x64xi32, #tpu.memory_space<vmem>>, vector<16xi32>,
      %slice3A_113 = vector.extract_strided_slice %get3A_112 {offsets = [15], sizes = [1], strides = [1]} : vector<16xi32> to vector<1xi32>
      %squeeze3A_114 = vector.extract %slice3A_113[0] : i32 from vector<1xi32>
      %ge3A = arith.cmpi sge, %squeeze3A_114, %mul3A_5 : i32
      %add3A_115 = arith.constant 5000 : i32
      %add3A_116 = arith.addi %mul3A_5, %add3A_115 : i32
      %lt3A = arith.cmpi slt, %squeeze3A, %add3A_116 : i32
      %and3A = arith.andi %ge3A, %lt3A : i1
      %convert_element_type3A_117 = arith.extui %and3A : i1 to i32
      %cond3A_118 = arith.constant 0 : i32
      %cond3A_119 = arith.cmpi ne, %convert_element_type3A_117, %cond3A_118 : i32
      scf.if %cond3A_119 {
        %gt3A_167 = arith.constant 0 : i32
        %gt3A_168 = arith.cmpi sgt, %scan3A_81, %gt3A_167 : i32
        %convert_element_type3A_169 = arith.extui %gt3A_168 : i1 to i32
        %cond3A_170 = arith.constant 0 : i32
        %cond3A_171 = arith.cmpi ne, %convert_element_type3A_169, %cond3A_170 : i32
        scf.if %cond3A_171 {
          %dma_wait3A_405 = arith.constant 0 : i32
          %dma_wait3A_406 = arith.constant 0 : i32
          %dma_wait3A_407 = tpu.memref_slice %arg8[%dma_wait3A_405, %dma_wait3A_406] : memref<128x128xf32, #tpu.memory_space<vmem>> -> memref<64x128xf32, #tpu.memory_space<vmem>>
          %dma_wait3A_408 = arith.constant 0 : i32
          %dma_wait3A_409 = arith.constant 0 : i32
          %dma_wait3A_410 = tpu.memref_slice %arg2[%dma_wait3A_408, %dma_wait3A_409] : memref<320000x128xf32, #tpu.memory_space<hbm>> -> memref<64x128xf32, #tpu.memory_space<hbm>>
          %dma_wait3A_411 = arith.constant 0 : i32
          %dma_wait3A_412 = arith.constant 0 : i32
          %dma_wait3A_413 = tpu.memref_slice %arg8[%dma_wait3A_411, %dma_wait3A_412] : memref<128x128xf32, #tpu.memory_space<vmem>> -> memref<64x128xf32, #tpu.memory_space<vmem>>
          %dma_wait3A_414 = arith.constant 0 : i32
          %dma_wait3A_415 = arith.constant 0 : i32
          %dma_wait3A_416 = tpu.memref_slice %arg2[%dma_wait3A_414, %dma_wait3A_415] : memref<320000x128xf32, #tpu.memory_space<hbm>> -> memref<64x128xf32, #tpu.memory_space<hbm>>
          tpu.wait_dma2 semaphore(%arg22 : memref<!tpu.dma_semaphore, #tpu.memory_space<semaphore_mem>>) src(%dma_wait3A_416 : memref<64x128xf32, #tpu.memory_space<hbm>>) dst(%dma_wait3A_413 : memref<64x128xf32, #tpu.memory_space<vmem>>)
          %dma_wait3A_417 = arith.constant 64 : i32
          %dma_wait3A_418 = arith.constant 0 : i32
          %dma_wait3A_419 = tpu.memref_slice %arg8[%dma_wait3A_417, %dma_wait3A_418] : memref<128x128xf32, #tpu.memory_space<vmem>> -> memref<64x128xf32, #tpu.memory_space<vmem>>
          %dma_wait3A_420 = arith.constant 0 : i32
          %dma_wait3A_421 = arith.constant 0 : i32
          %dma_wait3A_422 = tpu.memref_slice %arg2[%dma_wait3A_420, %dma_wait3A_421] : memref<320000x128xf32, #tpu.memory_space<hbm>> -> memref<64x128xf32, #tpu.memory_space<hbm>>
          %dma_wait3A_423 = arith.constant 64 : i32
          %dma_wait3A_424 = arith.constant 0 : i32
          %dma_wait3A_425 = tpu.memref_slice %arg8[%dma_wait3A_423, %dma_wait3A_424] : memref<128x128xf32, #tpu.memory_space<vmem>> -> memref<64x128xf32, #tpu.memory_space<vmem>>
          %dma_wait3A_426 = arith.constant 0 : i32
          %dma_wait3A_427 = arith.constant 0 : i32
          %dma_wait3A_428 = tpu.memref_slice %arg2[%dma_wait3A_426, %dma_wait3A_427] : memref<320000x128xf32, #tpu.memory_space<hbm>> -> memref<64x128xf32, #tpu.memory_space<hbm>>
          tpu.wait_dma2 semaphore(%arg22 : memref<!tpu.dma_semaphore, #tpu.memory_space<semaphore_mem>>) src(%dma_wait3A_428 : memref<64x128xf32, #tpu.memory_space<hbm>>) dst(%dma_wait3A_425 : memref<64x128xf32, #tpu.memory_space<vmem>>)
        } else {
        }
        %mul3A_172 = arith.constant 128 : i32
        %mul3A_173 = arith.muli %add3A_87, %mul3A_172 : i32
        %dma_start3A_174 = arith.constant 0 : i32
        %dma_start3A_175 = tpu.memref_slice %arg2[%mul3A_173, %dma_start3A_174] : memref<320000x128xf32, #tpu.memory_space<hbm>> -> memref<128x128xf32, #tpu.memory_space<hbm>>
        %dma_start3A_176 = arith.constant 0 : i32
        %dma_start3A_177 = tpu.memref_slice %arg2[%mul3A_173, %dma_start3A_176] : memref<320000x128xf32, #tpu.memory_space<hbm>> -> memref<128x128xf32, #tpu.memory_space<hbm>>
        tpu.enqueue_dma source(%dma_start3A_177 : memref<128x128xf32, #tpu.memory_space<hbm>>) target(%arg8 : memref<128x128xf32, #tpu.memory_space<vmem>>) target_semaphore(%arg18 : memref<!tpu.dma_semaphore, #tpu.memory_space<semaphore_mem>>)
        %dma_start3A_178 = arith.constant 0 : i32
        %dma_start3A_179 = tpu.memref_slice %arg3[%mul3A_173, %dma_start3A_178] : memref<320000x16xf32, #tpu.memory_space<hbm>> -> memref<128x16xf32, #tpu.memory_space<hbm>>
        %dma_start3A_180 = arith.constant 0 : i32
        %dma_start3A_181 = tpu.memref_slice %arg3[%mul3A_173, %dma_start3A_180] : memref<320000x16xf32, #tpu.memory_space<hbm>> -> memref<128x16xf32, #tpu.memory_space<hbm>>
        tpu.enqueue_dma source(%dma_start3A_181 : memref<128x16xf32, #tpu.memory_space<hbm>>) target(%arg10 : memref<128x16xf32, #tpu.memory_space<vmem>>) target_semaphore(%arg19 : memref<!tpu.dma_semaphore, #tpu.memory_space<semaphore_mem>>)
        %dma_wait3A_182 = arith.constant 0 : i32
        %dma_wait3A_183 = tpu.memref_slice %arg3[%mul3A_173, %dma_wait3A_182] : memref<320000x16xf32, #tpu.memory_space<hbm>> -> memref<128x16xf32, #tpu.memory_space<hbm>>
        %dma_wait3A_184 = arith.constant 0 : i32
        %dma_wait3A_185 = tpu.memref_slice %arg3[%mul3A_173, %dma_wait3A_184] : memref<320000x16xf32, #tpu.memory_space<hbm>> -> memref<128x16xf32, #tpu.memory_space<hbm>>
        tpu.wait_dma2 semaphore(%arg19 : memref<!tpu.dma_semaphore, #tpu.memory_space<semaphore_mem>>) src(%dma_wait3A_185 : memref<128x16xf32, #tpu.memory_space<hbm>>) dst(%arg10 : memref<128x16xf32, #tpu.memory_space<vmem>>)
        %get3A_186 = arith.constant 0 : i32
        %get3A_187 = arith.index_cast %get3A_186 : i32 to index
        %get3A_188 = arith.constant 0 : index
        %get3A_189 = tpu.vector_load %arg12[%get3A_187, %get3A_188] {strides = array<i32>} : memref<2x64xi32, #tpu.memory_space<vmem>>, vector<16xi32>,
        %sub3A = vector.broadcast %mul3A_5 : i32 to vector<16xi32>
        %sub3A_190 = arith.subi %get3A_189, %sub3A : vector<16xi32>
        %ge3A_191 = arith.constant 0 : i32
        %ge3A_192 = vector.broadcast %ge3A_191 : i32 to vector<16xi32>
        %ge3A_193 = arith.cmpi sge, %sub3A_190, %ge3A_192 : vector<16xi32>
        %lt3A_194 = arith.constant 5000 : i32
        %lt3A_195 = vector.broadcast %lt3A_194 : i32 to vector<16xi32>
        %lt3A_196 = arith.cmpi slt, %sub3A_190, %lt3A_195 : vector<16xi32>
        %and3A_197 = arith.andi %ge3A_193, %lt3A_196 : vector<16xi1>
        %jit3A_198 = arith.constant 5000 : i32
        %broadcast_in_dim3A_199 = vector.broadcast %jit3A_198 : i32 to vector<16xi32>
        %select_n3A_200 = arith.select %and3A_197, %sub3A_190, %broadcast_in_dim3A_199 : vector<16xi1>, vector<16xi32>
        %swap3A = arith.constant 0 : i32
        %swap3A_201 = arith.index_cast %swap3A : i32 to index
        %swap3A_202 = arith.constant 0 : index
        %swap3A_203 = tpu.vector_load %arg14[%swap3A_201, %swap3A_202] {strides = array<i32>} : memref<2x64xi32, #tpu.memory_space<vmem>>, vector<16xi32>,
        tpu.vector_store %arg14[%swap3A_201, %swap3A_202], %select_n3A_200 {strides = array<i32>} : memref<2x64xi32, #tpu.memory_space<vmem>>, vector<16xi32>,
        %add3A_204 = arith.constant 0 : i32
        %add3A_205 = vector.broadcast %add3A_204 : i32 to vector<16xi32>
        %add3A_206 = arith.addi %iota3A, %add3A_205 : vector<16xi32>
        %gather3A = tpu.vector_load_idx %arg10[%add3A_206, %broadcast_in_dim3A_4] : memref<128x16xf32, #tpu.memory_space<vmem>>[vector<16xi32>, vector<16xi32>], vector<16xf32>,
        tpu.vector_store_idx %arg16[%select_n3A_200], %gather3A {add = true} : memref<5120xf32, #tpu.memory_space<vmem>>[vector<16xi32>], vector<16xf32>,
        tpu.vector_store_idx %arg17[%select_n3A_200], %broadcast_in_dim3A_2 {add = true} : memref<5120xf32, #tpu.memory_space<vmem>>[vector<16xi32>], vector<16xf32>,
        %get3A_207 = arith.constant 0 : i32
        %get3A_208 = arith.index_cast %get3A_207 : i32 to index
        %get3A_209 = arith.constant 16 : index
        %get3A_210 = tpu.vector_load %arg12[%get3A_208, %get3A_209] {strides = array<i32>} : memref<2x64xi32, #tpu.memory_space<vmem>>, vector<16xi32>,
        %sub3A_211 = vector.broadcast %mul3A_5 : i32 to vector<16xi32>
        %sub3A_212 = arith.subi %get3A_210, %sub3A_211 : vector<16xi32>
        %ge3A_213 = arith.constant 0 : i32
        %ge3A_214 = vector.broadcast %ge3A_213 : i32 to vector<16xi32>
        %ge3A_215 = arith.cmpi sge, %sub3A_212, %ge3A_214 : vector<16xi32>
        %lt3A_216 = arith.constant 5000 : i32
        %lt3A_217 = vector.broadcast %lt3A_216 : i32 to vector<16xi32>
        %lt3A_218 = arith.cmpi slt, %sub3A_212, %lt3A_217 : vector<16xi32>
        %and3A_219 = arith.andi %ge3A_215, %lt3A_218 : vector<16xi1>
        %jit3A_220 = arith.constant 5000 : i32
        %broadcast_in_dim3A_221 = vector.broadcast %jit3A_220 : i32 to vector<16xi32>
        %select_n3A_222 = arith.select %and3A_219, %sub3A_212, %broadcast_in_dim3A_221 : vector<16xi1>, vector<16xi32>
        %swap3A_223 = arith.constant 0 : i32
        %swap3A_224 = arith.index_cast %swap3A_223 : i32 to index
        %swap3A_225 = arith.constant 16 : index
        %swap3A_226 = tpu.vector_load %arg14[%swap3A_224, %swap3A_225] {strides = array<i32>} : memref<2x64xi32, #tpu.memory_space<vmem>>, vector<16xi32>,
        tpu.vector_store %arg14[%swap3A_224, %swap3A_225], %select_n3A_222 {strides = array<i32>} : memref<2x64xi32, #tpu.memory_space<vmem>>, vector<16xi32>,
        %add3A_227 = arith.constant 16 : i32
        %add3A_228 = vector.broadcast %add3A_227 : i32 to vector<16xi32>
        %add3A_229 = arith.addi %iota3A, %add3A_228 : vector<16xi32>
        %gather3A_230 = tpu.vector_load_idx %arg10[%add3A_229, %broadcast_in_dim3A_4] : memref<128x16xf32, #tpu.memory_space<vmem>>[vector<16xi32>, vector<16xi32>], vector<16xf32>,
        tpu.vector_store_idx %arg16[%select_n3A_222], %gather3A_230 {add = true} : memref<5120xf32, #tpu.memory_space<vmem>>[vector<16xi32>], vector<16xf32>,
        tpu.vector_store_idx %arg17[%select_n3A_222], %broadcast_in_dim3A_2 {add = true} : memref<5120xf32, #tpu.memory_space<vmem>>[vector<16xi32>], vector<16xf32>,
        %get3A_231 = arith.constant 0 : i32
        %get3A_232 = arith.index_cast %get3A_231 : i32 to index
        %get3A_233 = arith.constant 32 : index
        %get3A_234 = tpu.vector_load %arg12[%get3A_232, %get3A_233] {strides = array<i32>} : memref<2x64xi32, #tpu.memory_space<vmem>>, vector<16xi32>,
        %sub3A_235 = vector.broadcast %mul3A_5 : i32 to vector<16xi32>
        %sub3A_236 = arith.subi %get3A_234, %sub3A_235 : vector<16xi32>
        %ge3A_237 = arith.constant 0 : i32
        %ge3A_238 = vector.broadcast %ge3A_237 : i32 to vector<16xi32>
        %ge3A_239 = arith.cmpi sge, %sub3A_236, %ge3A_238 : vector<16xi32>
        %lt3A_240 = arith.constant 5000 : i32
        %lt3A_241 = vector.broadcast %lt3A_240 : i32 to vector<16xi32>
        %lt3A_242 = arith.cmpi slt, %sub3A_236, %lt3A_241 : vector<16xi32>
        %and3A_243 = arith.andi %ge3A_239, %lt3A_242 : vector<16xi1>
        %jit3A_244 = arith.constant 5000 : i32
        %broadcast_in_dim3A_245 = vector.broadcast %jit3A_244 : i32 to vector<16xi32>
        %select_n3A_246 = arith.select %and3A_243, %sub3A_236, %broadcast_in_dim3A_245 : vector<16xi1>, vector<16xi32>
        %swap3A_247 = arith.constant 0 : i32
        %swap3A_248 = arith.index_cast %swap3A_247 : i32 to index
        %swap3A_249 = arith.constant 32 : index
        %swap3A_250 = tpu.vector_load %arg14[%swap3A_248, %swap3A_249] {strides = array<i32>} : memref<2x64xi32, #tpu.memory_space<vmem>>, vector<16xi32>,
        tpu.vector_store %arg14[%swap3A_248, %swap3A_249], %select_n3A_246 {strides = array<i32>} : memref<2x64xi32, #tpu.memory_space<vmem>>, vector<16xi32>,
        %add3A_251 = arith.constant 32 : i32
        %add3A_252 = vector.broadcast %add3A_251 : i32 to vector<16xi32>
        %add3A_253 = arith.addi %iota3A, %add3A_252 : vector<16xi32>
        %gather3A_254 = tpu.vector_load_idx %arg10[%add3A_253, %broadcast_in_dim3A_4] : memref<128x16xf32, #tpu.memory_space<vmem>>[vector<16xi32>, vector<16xi32>], vector<16xf32>,
        tpu.vector_store_idx %arg16[%select_n3A_246], %gather3A_254 {add = true} : memref<5120xf32, #tpu.memory_space<vmem>>[vector<16xi32>], vector<16xf32>,
        tpu.vector_store_idx %arg17[%select_n3A_246], %broadcast_in_dim3A_2 {add = true} : memref<5120xf32, #tpu.memory_space<vmem>>[vector<16xi32>], vector<16xf32>,
        %get3A_255 = arith.constant 0 : i32
        %get3A_256 = arith.index_cast %get3A_255 : i32 to index
        %get3A_257 = arith.constant 48 : index
        %get3A_258 = tpu.vector_load %arg12[%get3A_256, %get3A_257] {strides = array<i32>} : memref<2x64xi32, #tpu.memory_space<vmem>>, vector<16xi32>,
        %sub3A_259 = vector.broadcast %mul3A_5 : i32 to vector<16xi32>
        %sub3A_260 = arith.subi %get3A_258, %sub3A_259 : vector<16xi32>
        %ge3A_261 = arith.constant 0 : i32
        %ge3A_262 = vector.broadcast %ge3A_261 : i32 to vector<16xi32>
        %ge3A_263 = arith.cmpi sge, %sub3A_260, %ge3A_262 : vector<16xi32>
        %lt3A_264 = arith.constant 5000 : i32
        %lt3A_265 = vector.broadcast %lt3A_264 : i32 to vector<16xi32>
        %lt3A_266 = arith.cmpi slt, %sub3A_260, %lt3A_265 : vector<16xi32>
        %and3A_267 = arith.andi %ge3A_263, %lt3A_266 : vector<16xi1>
        %jit3A_268 = arith.constant 5000 : i32
        %broadcast_in_dim3A_269 = vector.broadcast %jit3A_268 : i32 to vector<16xi32>
        %select_n3A_270 = arith.select %and3A_267, %sub3A_260, %broadcast_in_dim3A_269 : vector<16xi1>, vector<16xi32>
        %swap3A_271 = arith.constant 0 : i32
        %swap3A_272 = arith.index_cast %swap3A_271 : i32 to index
        %swap3A_273 = arith.constant 48 : index
        %swap3A_274 = tpu.vector_load %arg14[%swap3A_272, %swap3A_273] {strides = array<i32>} : memref<2x64xi32, #tpu.memory_space<vmem>>, vector<16xi32>,
        tpu.vector_store %arg14[%swap3A_272, %swap3A_273], %select_n3A_270 {strides = array<i32>} : memref<2x64xi32, #tpu.memory_space<vmem>>, vector<16xi32>,
        %add3A_275 = arith.constant 48 : i32
        %add3A_276 = vector.broadcast %add3A_275 : i32 to vector<16xi32>
        %add3A_277 = arith.addi %iota3A, %add3A_276 : vector<16xi32>
        %gather3A_278 = tpu.vector_load_idx %arg10[%add3A_277, %broadcast_in_dim3A_4] : memref<128x16xf32, #tpu.memory_space<vmem>>[vector<16xi32>, vector<16xi32>], vector<16xf32>,
        tpu.vector_store_idx %arg16[%select_n3A_270], %gather3A_278 {add = true} : memref<5120xf32, #tpu.memory_space<vmem>>[vector<16xi32>], vector<16xf32>,
        tpu.vector_store_idx %arg17[%select_n3A_270], %broadcast_in_dim3A_2 {add = true} : memref<5120xf32, #tpu.memory_space<vmem>>[vector<16xi32>], vector<16xf32>,
        %get3A_279 = arith.constant 1 : i32
        %get3A_280 = arith.index_cast %get3A_279 : i32 to index
        %get3A_281 = arith.constant 0 : index
        %get3A_282 = tpu.vector_load %arg12[%get3A_280, %get3A_281] {strides = array<i32>} : memref<2x64xi32, #tpu.memory_space<vmem>>, vector<16xi32>,
        %sub3A_283 = vector.broadcast %mul3A_5 : i32 to vector<16xi32>
        %sub3A_284 = arith.subi %get3A_282, %sub3A_283 : vector<16xi32>
        %ge3A_285 = arith.constant 0 : i32
        %ge3A_286 = vector.broadcast %ge3A_285 : i32 to vector<16xi32>
        %ge3A_287 = arith.cmpi sge, %sub3A_284, %ge3A_286 : vector<16xi32>
        %lt3A_288 = arith.constant 5000 : i32
        %lt3A_289 = vector.broadcast %lt3A_288 : i32 to vector<16xi32>
        %lt3A_290 = arith.cmpi slt, %sub3A_284, %lt3A_289 : vector<16xi32>
        %and3A_291 = arith.andi %ge3A_287, %lt3A_290 : vector<16xi1>
        %jit3A_292 = arith.constant 5000 : i32
        %broadcast_in_dim3A_293 = vector.broadcast %jit3A_292 : i32 to vector<16xi32>
        %select_n3A_294 = arith.select %and3A_291, %sub3A_284, %broadcast_in_dim3A_293 : vector<16xi1>, vector<16xi32>
        %swap3A_295 = arith.constant 1 : i32
        %swap3A_296 = arith.index_cast %swap3A_295 : i32 to index
        %swap3A_297 = arith.constant 0 : index
        %swap3A_298 = tpu.vector_load %arg14[%swap3A_296, %swap3A_297] {strides = array<i32>} : memref<2x64xi32, #tpu.memory_space<vmem>>, vector<16xi32>,
        tpu.vector_store %arg14[%swap3A_296, %swap3A_297], %select_n3A_294 {strides = array<i32>} : memref<2x64xi32, #tpu.memory_space<vmem>>, vector<16xi32>,
        %add3A_299 = arith.constant 64 : i32
        %add3A_300 = vector.broadcast %add3A_299 : i32 to vector<16xi32>
        %add3A_301 = arith.addi %iota3A, %add3A_300 : vector<16xi32>
        %gather3A_302 = tpu.vector_load_idx %arg10[%add3A_301, %broadcast_in_dim3A_4] : memref<128x16xf32, #tpu.memory_space<vmem>>[vector<16xi32>, vector<16xi32>], vector<16xf32>,
        tpu.vector_store_idx %arg16[%select_n3A_294], %gather3A_302 {add = true} : memref<5120xf32, #tpu.memory_space<vmem>>[vector<16xi32>], vector<16xf32>,
        tpu.vector_store_idx %arg17[%select_n3A_294], %broadcast_in_dim3A_2 {add = true} : memref<5120xf32, #tpu.memory_space<vmem>>[vector<16xi32>], vector<16xf32>,
        %get3A_303 = arith.constant 1 : i32
        %get3A_304 = arith.index_cast %get3A_303 : i32 to index
        %get3A_305 = arith.constant 16 : index
        %get3A_306 = tpu.vector_load %arg12[%get3A_304, %get3A_305] {strides = array<i32>} : memref<2x64xi32, #tpu.memory_space<vmem>>, vector<16xi32>,
        %sub3A_307 = vector.broadcast %mul3A_5 : i32 to vector<16xi32>
        %sub3A_308 = arith.subi %get3A_306, %sub3A_307 : vector<16xi32>
        %ge3A_309 = arith.constant 0 : i32
        %ge3A_310 = vector.broadcast %ge3A_309 : i32 to vector<16xi32>
        %ge3A_311 = arith.cmpi sge, %sub3A_308, %ge3A_310 : vector<16xi32>
        %lt3A_312 = arith.constant 5000 : i32
        %lt3A_313 = vector.broadcast %lt3A_312 : i32 to vector<16xi32>
        %lt3A_314 = arith.cmpi slt, %sub3A_308, %lt3A_313 : vector<16xi32>
        %and3A_315 = arith.andi %ge3A_311, %lt3A_314 : vector<16xi1>
        %jit3A_316 = arith.constant 5000 : i32
        %broadcast_in_dim3A_317 = vector.broadcast %jit3A_316 : i32 to vector<16xi32>
        %select_n3A_318 = arith.select %and3A_315, %sub3A_308, %broadcast_in_dim3A_317 : vector<16xi1>, vector<16xi32>
        %swap3A_319 = arith.constant 1 : i32
        %swap3A_320 = arith.index_cast %swap3A_319 : i32 to index
        %swap3A_321 = arith.constant 16 : index
        %swap3A_322 = tpu.vector_load %arg14[%swap3A_320, %swap3A_321] {strides = array<i32>} : memref<2x64xi32, #tpu.memory_space<vmem>>, vector<16xi32>,
        tpu.vector_store %arg14[%swap3A_320, %swap3A_321], %select_n3A_318 {strides = array<i32>} : memref<2x64xi32, #tpu.memory_space<vmem>>, vector<16xi32>,
        %add3A_323 = arith.constant 80 : i32
        %add3A_324 = vector.broadcast %add3A_323 : i32 to vector<16xi32>
        %add3A_325 = arith.addi %iota3A, %add3A_324 : vector<16xi32>
        %gather3A_326 = tpu.vector_load_idx %arg10[%add3A_325, %broadcast_in_dim3A_4] : memref<128x16xf32, #tpu.memory_space<vmem>>[vector<16xi32>, vector<16xi32>], vector<16xf32>,
        tpu.vector_store_idx %arg16[%select_n3A_318], %gather3A_326 {add = true} : memref<5120xf32, #tpu.memory_space<vmem>>[vector<16xi32>], vector<16xf32>,
        tpu.vector_store_idx %arg17[%select_n3A_318], %broadcast_in_dim3A_2 {add = true} : memref<5120xf32, #tpu.memory_space<vmem>>[vector<16xi32>], vector<16xf32>,
        %get3A_327 = arith.constant 1 : i32
        %get3A_328 = arith.index_cast %get3A_327 : i32 to index
        %get3A_329 = arith.constant 32 : index
        %get3A_330 = tpu.vector_load %arg12[%get3A_328, %get3A_329] {strides = array<i32>} : memref<2x64xi32, #tpu.memory_space<vmem>>, vector<16xi32>,
        %sub3A_331 = vector.broadcast %mul3A_5 : i32 to vector<16xi32>
        %sub3A_332 = arith.subi %get3A_330, %sub3A_331 : vector<16xi32>
        %ge3A_333 = arith.constant 0 : i32
        %ge3A_334 = vector.broadcast %ge3A_333 : i32 to vector<16xi32>
        %ge3A_335 = arith.cmpi sge, %sub3A_332, %ge3A_334 : vector<16xi32>
        %lt3A_336 = arith.constant 5000 : i32
        %lt3A_337 = vector.broadcast %lt3A_336 : i32 to vector<16xi32>
        %lt3A_338 = arith.cmpi slt, %sub3A_332, %lt3A_337 : vector<16xi32>
        %and3A_339 = arith.andi %ge3A_335, %lt3A_338 : vector<16xi1>
        %jit3A_340 = arith.constant 5000 : i32
        %broadcast_in_dim3A_341 = vector.broadcast %jit3A_340 : i32 to vector<16xi32>
        %select_n3A_342 = arith.select %and3A_339, %sub3A_332, %broadcast_in_dim3A_341 : vector<16xi1>, vector<16xi32>
        %swap3A_343 = arith.constant 1 : i32
        %swap3A_344 = arith.index_cast %swap3A_343 : i32 to index
        %swap3A_345 = arith.constant 32 : index
        %swap3A_346 = tpu.vector_load %arg14[%swap3A_344, %swap3A_345] {strides = array<i32>} : memref<2x64xi32, #tpu.memory_space<vmem>>, vector<16xi32>,
        tpu.vector_store %arg14[%swap3A_344, %swap3A_345], %select_n3A_342 {strides = array<i32>} : memref<2x64xi32, #tpu.memory_space<vmem>>, vector<16xi32>,
        %add3A_347 = arith.constant 96 : i32
        %add3A_348 = vector.broadcast %add3A_347 : i32 to vector<16xi32>
        %add3A_349 = arith.addi %iota3A, %add3A_348 : vector<16xi32>
        %gather3A_350 = tpu.vector_load_idx %arg10[%add3A_349, %broadcast_in_dim3A_4] : memref<128x16xf32, #tpu.memory_space<vmem>>[vector<16xi32>, vector<16xi32>], vector<16xf32>,
        tpu.vector_store_idx %arg16[%select_n3A_342], %gather3A_350 {add = true} : memref<5120xf32, #tpu.memory_space<vmem>>[vector<16xi32>], vector<16xf32>,
        tpu.vector_store_idx %arg17[%select_n3A_342], %broadcast_in_dim3A_2 {add = true} : memref<5120xf32, #tpu.memory_space<vmem>>[vector<16xi32>], vector<16xf32>,
        %get3A_351 = arith.constant 1 : i32
        %get3A_352 = arith.index_cast %get3A_351 : i32 to index
        %get3A_353 = arith.constant 48 : index
        %get3A_354 = tpu.vector_load %arg12[%get3A_352, %get3A_353] {strides = array<i32>} : memref<2x64xi32, #tpu.memory_space<vmem>>, vector<16xi32>,
        %sub3A_355 = vector.broadcast %mul3A_5 : i32 to vector<16xi32>
        %sub3A_356 = arith.subi %get3A_354, %sub3A_355 : vector<16xi32>
        %ge3A_357 = arith.constant 0 : i32
        %ge3A_358 = vector.broadcast %ge3A_357 : i32 to vector<16xi32>
        %ge3A_359 = arith.cmpi sge, %sub3A_356, %ge3A_358 : vector<16xi32>
        %lt3A_360 = arith.constant 5000 : i32
        %lt3A_361 = vector.broadcast %lt3A_360 : i32 to vector<16xi32>
        %lt3A_362 = arith.cmpi slt, %sub3A_356, %lt3A_361 : vector<16xi32>
        %and3A_363 = arith.andi %ge3A_359, %lt3A_362 : vector<16xi1>
        %jit3A_364 = arith.constant 5000 : i32
        %broadcast_in_dim3A_365 = vector.broadcast %jit3A_364 : i32 to vector<16xi32>
        %select_n3A_366 = arith.select %and3A_363, %sub3A_356, %broadcast_in_dim3A_365 : vector<16xi1>, vector<16xi32>
        %swap3A_367 = arith.constant 1 : i32
        %swap3A_368 = arith.index_cast %swap3A_367 : i32 to index
        %swap3A_369 = arith.constant 48 : index
        %swap3A_370 = tpu.vector_load %arg14[%swap3A_368, %swap3A_369] {strides = array<i32>} : memref<2x64xi32, #tpu.memory_space<vmem>>, vector<16xi32>,
        tpu.vector_store %arg14[%swap3A_368, %swap3A_369], %select_n3A_366 {strides = array<i32>} : memref<2x64xi32, #tpu.memory_space<vmem>>, vector<16xi32>,
        %add3A_371 = arith.constant 112 : i32
        %add3A_372 = vector.broadcast %add3A_371 : i32 to vector<16xi32>
        %add3A_373 = arith.addi %iota3A, %add3A_372 : vector<16xi32>
        %gather3A_374 = tpu.vector_load_idx %arg10[%add3A_373, %broadcast_in_dim3A_4] : memref<128x16xf32, #tpu.memory_space<vmem>>[vector<16xi32>, vector<16xi32>], vector<16xf32>,
        tpu.vector_store_idx %arg16[%select_n3A_366], %gather3A_374 {add = true} : memref<5120xf32, #tpu.memory_space<vmem>>[vector<16xi32>], vector<16xf32>,
        tpu.vector_store_idx %arg17[%select_n3A_366], %broadcast_in_dim3A_2 {add = true} : memref<5120xf32, #tpu.memory_space<vmem>>[vector<16xi32>], vector<16xf32>,
        %dma_wait3A_375 = arith.constant 0 : i32
        %dma_wait3A_376 = tpu.memref_slice %arg2[%mul3A_173, %dma_wait3A_375] : memref<320000x128xf32, #tpu.memory_space<hbm>> -> memref<128x128xf32, #tpu.memory_space<hbm>>
        %dma_wait3A_377 = arith.constant 0 : i32
        %dma_wait3A_378 = tpu.memref_slice %arg2[%mul3A_173, %dma_wait3A_377] : memref<320000x128xf32, #tpu.memory_space<hbm>> -> memref<128x128xf32, #tpu.memory_space<hbm>>
        tpu.wait_dma2 semaphore(%arg18 : memref<!tpu.dma_semaphore, #tpu.memory_space<semaphore_mem>>) src(%dma_wait3A_378 : memref<128x128xf32, #tpu.memory_space<hbm>>) dst(%arg8 : memref<128x128xf32, #tpu.memory_space<vmem>>)
        %scan3A_379 = arith.constant 0 : i32
        %scan3A_380 = arith.constant 0 : i32
        %scan3A_381 = arith.constant 128 : i32
        %scan3A_382 = arith.addi %scan3A_380, %scan3A_381 : i32
        %scan3A_383 = arith.constant 1 : i32
        scf.for %scan3A_405 = %scan3A_380 to %scan3A_382 step %scan3A_383  : i32 {
          %get3A_406 = arith.index_cast %scan3A_405 : i32 to index
          %get3A_407 = arith.constant 0 : index
          %get3A_408 = tpu.vector_load %arg10[%get3A_406, %get3A_407] {strides = array<i32>} : memref<128x16xf32, #tpu.memory_space<vmem>>, vector<16xf32>,
          %get3A_409 = arith.index_cast %scan3A_405 : i32 to index
          %get3A_410 = arith.constant 0 : index
          %get3A_411 = tpu.vector_load %arg8[%get3A_409, %get3A_410] {strides = array<i32>} : memref<128x128xf32, #tpu.memory_space<vmem>>, vector<16xf32>,
          %mul3A_412 = arith.mulf %get3A_411, %get3A_408 : vector<16xf32>
          %swap3A_413 = arith.index_cast %scan3A_405 : i32 to index
          %swap3A_414 = arith.constant 0 : index
          %swap3A_415 = tpu.vector_load %arg8[%swap3A_413, %swap3A_414] {strides = array<i32>} : memref<128x128xf32, #tpu.memory_space<vmem>>, vector<16xf32>,
          tpu.vector_store %arg8[%swap3A_413, %swap3A_414], %mul3A_412 {strides = array<i32>} : memref<128x128xf32, #tpu.memory_space<vmem>>, vector<16xf32>,
          %get3A_416 = arith.index_cast %scan3A_405 : i32 to index
          %get3A_417 = arith.constant 16 : index
          %get3A_418 = tpu.vector_load %arg8[%get3A_416, %get3A_417] {strides = array<i32>} : memref<128x128xf32, #tpu.memory_space<vmem>>, vector<16xf32>,
          %mul3A_419 = arith.mulf %get3A_418, %get3A_408 : vector<16xf32>
          %swap3A_420 = arith.index_cast %scan3A_405 : i32 to index
          %swap3A_421 = arith.constant 16 : index
          %swap3A_422 = tpu.vector_load %arg8[%swap3A_420, %swap3A_421] {strides = array<i32>} : memref<128x128xf32, #tpu.memory_space<vmem>>, vector<16xf32>,
          tpu.vector_store %arg8[%swap3A_420, %swap3A_421], %mul3A_419 {strides = array<i32>} : memref<128x128xf32, #tpu.memory_space<vmem>>, vector<16xf32>,
          %get3A_423 = arith.index_cast %scan3A_405 : i32 to index
          %get3A_424 = arith.constant 32 : index
          %get3A_425 = tpu.vector_load %arg8[%get3A_423, %get3A_424] {strides = array<i32>} : memref<128x128xf32, #tpu.memory_space<vmem>>, vector<16xf32>,
          %mul3A_426 = arith.mulf %get3A_425, %get3A_408 : vector<16xf32>
          %swap3A_427 = arith.index_cast %scan3A_405 : i32 to index
          %swap3A_428 = arith.constant 32 : index
          %swap3A_429 = tpu.vector_load %arg8[%swap3A_427, %swap3A_428] {strides = array<i32>} : memref<128x128xf32, #tpu.memory_space<vmem>>, vector<16xf32>,
          tpu.vector_store %arg8[%swap3A_427, %swap3A_428], %mul3A_426 {strides = array<i32>} : memref<128x128xf32, #tpu.memory_space<vmem>>, vector<16xf32>,
          %get3A_430 = arith.index_cast %scan3A_405 : i32 to index
          %get3A_431 = arith.constant 48 : index
          %get3A_432 = tpu.vector_load %arg8[%get3A_430, %get3A_431] {strides = array<i32>} : memref<128x128xf32, #tpu.memory_space<vmem>>, vector<16xf32>,
          %mul3A_433 = arith.mulf %get3A_432, %get3A_408 : vector<16xf32>
          %swap3A_434 = arith.index_cast %scan3A_405 : i32 to index
          %swap3A_435 = arith.constant 48 : index
          %swap3A_436 = tpu.vector_load %arg8[%swap3A_434, %swap3A_435] {strides = array<i32>} : memref<128x128xf32, #tpu.memory_space<vmem>>, vector<16xf32>,
          tpu.vector_store %arg8[%swap3A_434, %swap3A_435], %mul3A_433 {strides = array<i32>} : memref<128x128xf32, #tpu.memory_space<vmem>>, vector<16xf32>,
          %get3A_437 = arith.index_cast %scan3A_405 : i32 to index
          %get3A_438 = arith.constant 64 : index
          %get3A_439 = tpu.vector_load %arg8[%get3A_437, %get3A_438] {strides = array<i32>} : memref<128x128xf32, #tpu.memory_space<vmem>>, vector<16xf32>,
          %mul3A_440 = arith.mulf %get3A_439, %get3A_408 : vector<16xf32>
          %swap3A_441 = arith.index_cast %scan3A_405 : i32 to index
          %swap3A_442 = arith.constant 64 : index
          %swap3A_443 = tpu.vector_load %arg8[%swap3A_441, %swap3A_442] {strides = array<i32>} : memref<128x128xf32, #tpu.memory_space<vmem>>, vector<16xf32>,
          tpu.vector_store %arg8[%swap3A_441, %swap3A_442], %mul3A_440 {strides = array<i32>} : memref<128x128xf32, #tpu.memory_space<vmem>>, vector<16xf32>,
          %get3A_444 = arith.index_cast %scan3A_405 : i32 to index
          %get3A_445 = arith.constant 80 : index
          %get3A_446 = tpu.vector_load %arg8[%get3A_444, %get3A_445] {strides = array<i32>} : memref<128x128xf32, #tpu.memory_space<vmem>>, vector<16xf32>,
          %mul3A_447 = arith.mulf %get3A_446, %get3A_408 : vector<16xf32>
          %swap3A_448 = arith.index_cast %scan3A_405 : i32 to index
          %swap3A_449 = arith.constant 80 : index
          %swap3A_450 = tpu.vector_load %arg8[%swap3A_448, %swap3A_449] {strides = array<i32>} : memref<128x128xf32, #tpu.memory_space<vmem>>, vector<16xf32>,
          tpu.vector_store %arg8[%swap3A_448, %swap3A_449], %mul3A_447 {strides = array<i32>} : memref<128x128xf32, #tpu.memory_space<vmem>>, vector<16xf32>,
          %get3A_451 = arith.index_cast %scan3A_405 : i32 to index
          %get3A_452 = arith.constant 96 : index
          %get3A_453 = tpu.vector_load %arg8[%get3A_451, %get3A_452] {strides = array<i32>} : memref<128x128xf32, #tpu.memory_space<vmem>>, vector<16xf32>,
          %mul3A_454 = arith.mulf %get3A_453, %get3A_408 : vector<16xf32>
          %swap3A_455 = arith.index_cast %scan3A_405 : i32 to index
          %swap3A_456 = arith.constant 96 : index
          %swap3A_457 = tpu.vector_load %arg8[%swap3A_455, %swap3A_456] {strides = array<i32>} : memref<128x128xf32, #tpu.memory_space<vmem>>, vector<16xf32>,
          tpu.vector_store %arg8[%swap3A_455, %swap3A_456], %mul3A_454 {strides = array<i32>} : memref<128x128xf32, #tpu.memory_space<vmem>>, vector<16xf32>,
          %get3A_458 = arith.index_cast %scan3A_405 : i32 to index
          %get3A_459 = arith.constant 112 : index
          %get3A_460 = tpu.vector_load %arg8[%get3A_458, %get3A_459] {strides = array<i32>} : memref<128x128xf32, #tpu.memory_space<vmem>>, vector<16xf32>,
          %mul3A_461 = arith.mulf %get3A_460, %get3A_408 : vector<16xf32>
          %swap3A_462 = arith.index_cast %scan3A_405 : i32 to index
          %swap3A_463 = arith.constant 112 : index
          %swap3A_464 = tpu.vector_load %arg8[%swap3A_462, %swap3A_463] {strides = array<i32>} : memref<128x128xf32, #tpu.memory_space<vmem>>, vector<16xf32>,
          tpu.vector_store %arg8[%swap3A_462, %swap3A_463], %mul3A_461 {strides = array<i32>} : memref<128x128xf32, #tpu.memory_space<vmem>>, vector<16xf32>,
        }
        %scan3A_384 = arith.constant 128 : i32
        %dma_start3A_385 = arith.constant 0 : i32
        %dma_start3A_386 = arith.constant 0 : i32
        %dma_start3A_387 = arith.constant 0 : i32
        %dma_start3A_388 = tpu.memref_slice %arg8[%dma_start3A_386, %dma_start3A_387] : memref<128x128xf32, #tpu.memory_space<vmem>> -> memref<64x128xf32, #tpu.memory_space<vmem>>
        %dma_start3A_389 = arith.constant 0 : i32
        %dma_start3A_390 = tpu.memref_slice %arg14[%dma_start3A_385, %dma_start3A_389] : memref<2x64xi32, #tpu.memory_space<vmem>> -> memref<1x64xi32, #tpu.memory_space<vmem>>
        %dma_start3A_391 = tpu.memref_squeeze %dma_start3A_390 : memref<1x64xi32, #tpu.memory_space<vmem>> -> memref<64xi32, #tpu.memory_space<vmem>>
        %dma_start3A_392 = arith.constant 0 : i32
        %dma_start3A_393 = arith.constant 0 : i32
        %dma_start3A_394 = tpu.memref_slice %arg24[%dma_start3A_392, %dma_start3A_393] : memref<5120x128xf32, #tpu.memory_space<vmem_shared>> -> memref<5120x128xf32, #tpu.memory_space<vmem_shared>>
        tpu.enqueue_indirect_dma source(%dma_start3A_388 : memref<64x128xf32, #tpu.memory_space<vmem>>) target(%dma_start3A_394 : memref<5120x128xf32, #tpu.memory_space<vmem_shared>>) offsets(%dma_start3A_391 : memref<64xi32, #tpu.memory_space<vmem>>) semaphore(%arg22 : memref<!tpu.dma_semaphore, #tpu.memory_space<semaphore_mem>>) {add = true}
        %dma_start3A_395 = arith.constant 1 : i32
        %dma_start3A_396 = arith.constant 64 : i32
        %dma_start3A_397 = arith.constant 0 : i32
        %dma_start3A_398 = tpu.memref_slice %arg8[%dma_start3A_396, %dma_start3A_397] : memref<128x128xf32, #tpu.memory_space<vmem>> -> memref<64x128xf32, #tpu.memory_space<vmem>>
        %dma_start3A_399 = arith.constant 0 : i32
        %dma_start3A_400 = tpu.memref_slice %arg14[%dma_start3A_395, %dma_start3A_399] : memref<2x64xi32, #tpu.memory_space<vmem>> -> memref<1x64xi32, #tpu.memory_space<vmem>>
        %dma_start3A_401 = tpu.memref_squeeze %dma_start3A_400 : memref<1x64xi32, #tpu.memory_space<vmem>> -> memref<64xi32, #tpu.memory_space<vmem>>
        %dma_start3A_402 = arith.constant 0 : i32
        %dma_start3A_403 = arith.constant 0 : i32
        %dma_start3A_404 = tpu.memref_slice %arg24[%dma_start3A_402, %dma_start3A_403] : memref<5120x128xf32, #tpu.memory_space<vmem_shared>> -> memref<5120x128xf32, #tpu.memory_space<vmem_shared>>
        tpu.enqueue_indirect_dma source(%dma_start3A_398 : memref<64x128xf32, #tpu.memory_space<vmem>>) target(%dma_start3A_404 : memref<5120x128xf32, #tpu.memory_space<vmem_shared>>) offsets(%dma_start3A_401 : memref<64xi32, #tpu.memory_space<vmem>>) semaphore(%arg22 : memref<!tpu.dma_semaphore, #tpu.memory_space<semaphore_mem>>) {add = true}
      } else {
      }
      %jit3A = arith.constant 2 : i32
      %select_n3A = arith.select %and3A, %jit3A, %scan3A_81 : i32
      %mul3A_120 = arith.constant 2 : i32
      %mul3A_121 = arith.muli %mul3A_120, %scan3A_80 : i32
      %add3A_122 = arith.constant 1 : i32
      %add3A_123 = arith.addi %mul3A_121, %add3A_122 : i32
      %mul3A_124 = arith.constant 16 : i32
      %mul3A_125 = arith.muli %add3A_123, %mul3A_124 : i32
      %add3A_126 = arith.addi %arg1, %mul3A_125 : i32
      %dma_wait3A_127 = arith.constant 0 : i32
      %dma_wait3A_128 = arith.constant 0 : i32
      %dma_wait3A_129 = tpu.memref_slice %arg4[%add3A_126, %dma_wait3A_127, %dma_wait3A_128] : memref<2544x2x64xi32, #tpu.memory_space<hbm>> -> memref<1x2x64xi32, #tpu.memory_space<hbm>>
      %dma_wait3A_130 = tpu.memref_squeeze %dma_wait3A_129 : memref<1x2x64xi32, #tpu.memory_space<hbm>> -> memref<2x64xi32, #tpu.memory_space<hbm>>
      %dma_wait3A_131 = arith.constant 0 : i32
      %dma_wait3A_132 = arith.constant 0 : i32
      %dma_wait3A_133 = tpu.memref_slice %arg4[%add3A_126, %dma_wait3A_131, %dma_wait3A_132] : memref<2544x2x64xi32, #tpu.memory_space<hbm>> -> memref<1x2x64xi32, #tpu.memory_space<hbm>>
      %dma_wait3A_134 = tpu.memref_squeeze %dma_wait3A_133 : memref<1x2x64xi32, #tpu.memory_space<hbm>> -> memref<2x64xi32, #tpu.memory_space<hbm>>
      tpu.wait_dma2 semaphore(%arg21 : memref<!tpu.dma_semaphore, #tpu.memory_space<semaphore_mem>>) src(%dma_wait3A_134 : memref<2x64xi32, #tpu.memory_space<hbm>>) dst(%arg13 : memref<2x64xi32, #tpu.memory_space<vmem>>)
      %add3A_135 = arith.constant 16 : i32
      %add3A_136 = arith.addi %add3A_126, %add3A_135 : i32
      %dma_start3A_137 = arith.constant 0 : i32
      %dma_start3A_138 = arith.constant 0 : i32
      %dma_start3A_139 = tpu.memref_slice %arg4[%add3A_136, %dma_start3A_137, %dma_start3A_138] : memref<2544x2x64xi32, #tpu.memory_space<hbm>> -> memref<1x2x64xi32, #tpu.memory_space<hbm>>
      %dma_start3A_140 = tpu.memref_squeeze %dma_start3A_139 : memref<1x2x64xi32, #tpu.memory_space<hbm>> -> memref<2x64xi32, #tpu.memory_space<hbm>>
      %dma_start3A_141 = arith.constant 0 : i32
      %dma_start3A_142 = arith.constant 0 : i32
      %dma_start3A_143 = tpu.memref_slice %arg4[%add3A_136, %dma_start3A_141, %dma_start3A_142] : memref<2544x2x64xi32, #tpu.memory_space<hbm>> -> memref<1x2x64xi32, #tpu.memory_space<hbm>>
      %dma_start3A_144 = tpu.memref_squeeze %dma_start3A_143 : memref<1x2x64xi32, #tpu.memory_space<hbm>> -> memref<2x64xi32, #tpu.memory_space<hbm>>
      tpu.enqueue_dma source(%dma_start3A_144 : memref<2x64xi32, #tpu.memory_space<hbm>>) target(%arg12 : memref<2x64xi32, #tpu.memory_space<vmem>>) target_semaphore(%arg20 : memref<!tpu.dma_semaphore, #tpu.memory_space<semaphore_mem>>)
      %get3A_145 = arith.constant 0 : i32
      %get3A_146 = arith.index_cast %get3A_145 : i32 to index
      %get3A_147 = arith.constant 0 : index
      %get3A_148 = tpu.vector_load %arg13[%get3A_146, %get3A_147] {strides = array<i32>} : memref<2x64xi32, #tpu.memory_space<vmem>>, vector<16xi32>,
      %slice3A_149 = vector.extract_strided_slice %get3A_148 {offsets = [0], sizes = [1], strides = [1]} : vector<16xi32> to vector<1xi32>
      %squeeze3A_150 = vector.extract %slice3A_149[0] : i32 from vector<1xi32>
      %get3A_151 = arith.constant 1 : i32
      %get3A_152 = arith.index_cast %get3A_151 : i32 to index
      %get3A_153 = arith.constant 48 : index
      %get3A_154 = tpu.vector_load %arg13[%get3A_152, %get3A_153] {strides = array<i32>} : memref<2x64xi32, #tpu.memory_space<vmem>>, vector<16xi32>,
      %slice3A_155 = vector.extract_strided_slice %get3A_154 {offsets = [15], sizes = [1], strides = [1]} : vector<16xi32> to vector<1xi32>
      %squeeze3A_156 = vector.extract %slice3A_155[0] : i32 from vector<1xi32>
      %ge3A_157 = arith.cmpi sge, %squeeze3A_156, %mul3A_5 : i32
      %add3A_158 = arith.constant 5000 : i32
      %add3A_159 = arith.addi %mul3A_5, %add3A_158 : i32
      %lt3A_160 = arith.cmpi slt, %squeeze3A_150, %add3A_159 : i32
      %and3A_161 = arith.andi %ge3A_157, %lt3A_160 : i1
      %convert_element_type3A_162 = arith.extui %and3A_161 : i1 to i32
      %cond3A_163 = arith.constant 0 : i32
      %cond3A_164 = arith.cmpi ne, %convert_element_type3A_162, %cond3A_163 : i32
      scf.if %cond3A_164 {
        %gt3A_167 = arith.constant 0 : i32
        %gt3A_168 = arith.cmpi sgt, %scan3A_82, %gt3A_167 : i32
        %convert_element_type3A_169 = arith.extui %gt3A_168 : i1 to i32
        %cond3A_170 = arith.constant 0 : i32
        %cond3A_171 = arith.cmpi ne, %convert_element_type3A_169, %cond3A_170 : i32
        scf.if %cond3A_171 {
          %dma_wait3A_405 = arith.constant 0 : i32
          %dma_wait3A_406 = arith.constant 0 : i32
          %dma_wait3A_407 = tpu.memref_slice %arg9[%dma_wait3A_405, %dma_wait3A_406] : memref<128x128xf32, #tpu.memory_space<vmem>> -> memref<64x128xf32, #tpu.memory_space<vmem>>
          %dma_wait3A_408 = arith.constant 0 : i32
          %dma_wait3A_409 = arith.constant 0 : i32
          %dma_wait3A_410 = tpu.memref_slice %arg2[%dma_wait3A_408, %dma_wait3A_409] : memref<320000x128xf32, #tpu.memory_space<hbm>> -> memref<64x128xf32, #tpu.memory_space<hbm>>
          %dma_wait3A_411 = arith.constant 0 : i32
          %dma_wait3A_412 = arith.constant 0 : i32
          %dma_wait3A_413 = tpu.memref_slice %arg9[%dma_wait3A_411, %dma_wait3A_412] : memref<128x128xf32, #tpu.memory_space<vmem>> -> memref<64x128xf32, #tpu.memory_space<vmem>>
          %dma_wait3A_414 = arith.constant 0 : i32
          %dma_wait3A_415 = arith.constant 0 : i32
          %dma_wait3A_416 = tpu.memref_slice %arg2[%dma_wait3A_414, %dma_wait3A_415] : memref<320000x128xf32, #tpu.memory_space<hbm>> -> memref<64x128xf32, #tpu.memory_space<hbm>>
          tpu.wait_dma2 semaphore(%arg23 : memref<!tpu.dma_semaphore, #tpu.memory_space<semaphore_mem>>) src(%dma_wait3A_416 : memref<64x128xf32, #tpu.memory_space<hbm>>) dst(%dma_wait3A_413 : memref<64x128xf32, #tpu.memory_space<vmem>>)
          %dma_wait3A_417 = arith.constant 64 : i32
          %dma_wait3A_418 = arith.constant 0 : i32
          %dma_wait3A_419 = tpu.memref_slice %arg9[%dma_wait3A_417, %dma_wait3A_418] : memref<128x128xf32, #tpu.memory_space<vmem>> -> memref<64x128xf32, #tpu.memory_space<vmem>>
          %dma_wait3A_420 = arith.constant 0 : i32
          %dma_wait3A_421 = arith.constant 0 : i32
          %dma_wait3A_422 = tpu.memref_slice %arg2[%dma_wait3A_420, %dma_wait3A_421] : memref<320000x128xf32, #tpu.memory_space<hbm>> -> memref<64x128xf32, #tpu.memory_space<hbm>>
          %dma_wait3A_423 = arith.constant 64 : i32
          %dma_wait3A_424 = arith.constant 0 : i32
          %dma_wait3A_425 = tpu.memref_slice %arg9[%dma_wait3A_423, %dma_wait3A_424] : memref<128x128xf32, #tpu.memory_space<vmem>> -> memref<64x128xf32, #tpu.memory_space<vmem>>
          %dma_wait3A_426 = arith.constant 0 : i32
          %dma_wait3A_427 = arith.constant 0 : i32
          %dma_wait3A_428 = tpu.memref_slice %arg2[%dma_wait3A_426, %dma_wait3A_427] : memref<320000x128xf32, #tpu.memory_space<hbm>> -> memref<64x128xf32, #tpu.memory_space<hbm>>
          tpu.wait_dma2 semaphore(%arg23 : memref<!tpu.dma_semaphore, #tpu.memory_space<semaphore_mem>>) src(%dma_wait3A_428 : memref<64x128xf32, #tpu.memory_space<hbm>>) dst(%dma_wait3A_425 : memref<64x128xf32, #tpu.memory_space<vmem>>)
        } else {
        }
        %mul3A_172 = arith.constant 128 : i32
        %mul3A_173 = arith.muli %add3A_126, %mul3A_172 : i32
        %dma_start3A_174 = arith.constant 0 : i32
        %dma_start3A_175 = tpu.memref_slice %arg2[%mul3A_173, %dma_start3A_174] : memref<320000x128xf32, #tpu.memory_space<hbm>> -> memref<128x128xf32, #tpu.memory_space<hbm>>
        %dma_start3A_176 = arith.constant 0 : i32
        %dma_start3A_177 = tpu.memref_slice %arg2[%mul3A_173, %dma_start3A_176] : memref<320000x128xf32, #tpu.memory_space<hbm>> -> memref<128x128xf32, #tpu.memory_space<hbm>>
        tpu.enqueue_dma source(%dma_start3A_177 : memref<128x128xf32, #tpu.memory_space<hbm>>) target(%arg9 : memref<128x128xf32, #tpu.memory_space<vmem>>) target_semaphore(%arg18 : memref<!tpu.dma_semaphore, #tpu.memory_space<semaphore_mem>>)
        %dma_start3A_178 = arith.constant 0 : i32
        %dma_start3A_179 = tpu.memref_slice %arg3[%mul3A_173, %dma_start3A_178] : memref<320000x16xf32, #tpu.memory_space<hbm>> -> memref<128x16xf32, #tpu.memory_space<hbm>>
        %dma_start3A_180 = arith.constant 0 : i32
        %dma_start3A_181 = tpu.memref_slice %arg3[%mul3A_173, %dma_start3A_180] : memref<320000x16xf32, #tpu.memory_space<hbm>> -> memref<128x16xf32, #tpu.memory_space<hbm>>
        tpu.enqueue_dma source(%dma_start3A_181 : memref<128x16xf32, #tpu.memory_space<hbm>>) target(%arg11 : memref<128x16xf32, #tpu.memory_space<vmem>>) target_semaphore(%arg19 : memref<!tpu.dma_semaphore, #tpu.memory_space<semaphore_mem>>)
        %dma_wait3A_182 = arith.constant 0 : i32
        %dma_wait3A_183 = tpu.memref_slice %arg3[%mul3A_173, %dma_wait3A_182] : memref<320000x16xf32, #tpu.memory_space<hbm>> -> memref<128x16xf32, #tpu.memory_space<hbm>>
        %dma_wait3A_184 = arith.constant 0 : i32
        %dma_wait3A_185 = tpu.memref_slice %arg3[%mul3A_173, %dma_wait3A_184] : memref<320000x16xf32, #tpu.memory_space<hbm>> -> memref<128x16xf32, #tpu.memory_space<hbm>>
        tpu.wait_dma2 semaphore(%arg19 : memref<!tpu.dma_semaphore, #tpu.memory_space<semaphore_mem>>) src(%dma_wait3A_185 : memref<128x16xf32, #tpu.memory_space<hbm>>) dst(%arg11 : memref<128x16xf32, #tpu.memory_space<vmem>>)
        %get3A_186 = arith.constant 0 : i32
        %get3A_187 = arith.index_cast %get3A_186 : i32 to index
        %get3A_188 = arith.constant 0 : index
        %get3A_189 = tpu.vector_load %arg13[%get3A_187, %get3A_188] {strides = array<i32>} : memref<2x64xi32, #tpu.memory_space<vmem>>, vector<16xi32>,
        %sub3A = vector.broadcast %mul3A_5 : i32 to vector<16xi32>
        %sub3A_190 = arith.subi %get3A_189, %sub3A : vector<16xi32>
        %ge3A_191 = arith.constant 0 : i32
        %ge3A_192 = vector.broadcast %ge3A_191 : i32 to vector<16xi32>
        %ge3A_193 = arith.cmpi sge, %sub3A_190, %ge3A_192 : vector<16xi32>
        %lt3A_194 = arith.constant 5000 : i32
        %lt3A_195 = vector.broadcast %lt3A_194 : i32 to vector<16xi32>
        %lt3A_196 = arith.cmpi slt, %sub3A_190, %lt3A_195 : vector<16xi32>
        %and3A_197 = arith.andi %ge3A_193, %lt3A_196 : vector<16xi1>
        %jit3A_198 = arith.constant 5000 : i32
        %broadcast_in_dim3A_199 = vector.broadcast %jit3A_198 : i32 to vector<16xi32>
        %select_n3A_200 = arith.select %and3A_197, %sub3A_190, %broadcast_in_dim3A_199 : vector<16xi1>, vector<16xi32>
        %swap3A = arith.constant 0 : i32
        %swap3A_201 = arith.index_cast %swap3A : i32 to index
        %swap3A_202 = arith.constant 0 : index
        %swap3A_203 = tpu.vector_load %arg15[%swap3A_201, %swap3A_202] {strides = array<i32>} : memref<2x64xi32, #tpu.memory_space<vmem>>, vector<16xi32>,
        tpu.vector_store %arg15[%swap3A_201, %swap3A_202], %select_n3A_200 {strides = array<i32>} : memref<2x64xi32, #tpu.memory_space<vmem>>, vector<16xi32>,
        %add3A_204 = arith.constant 0 : i32
        %add3A_205 = vector.broadcast %add3A_204 : i32 to vector<16xi32>
        %add3A_206 = arith.addi %iota3A, %add3A_205 : vector<16xi32>
        %gather3A = tpu.vector_load_idx %arg11[%add3A_206, %broadcast_in_dim3A_4] : memref<128x16xf32, #tpu.memory_space<vmem>>[vector<16xi32>, vector<16xi32>], vector<16xf32>,
        tpu.vector_store_idx %arg16[%select_n3A_200], %gather3A {add = true} : memref<5120xf32, #tpu.memory_space<vmem>>[vector<16xi32>], vector<16xf32>,
        tpu.vector_store_idx %arg17[%select_n3A_200], %broadcast_in_dim3A_2 {add = true} : memref<5120xf32, #tpu.memory_space<vmem>>[vector<16xi32>], vector<16xf32>,
        %get3A_207 = arith.constant 0 : i32
        %get3A_208 = arith.index_cast %get3A_207 : i32 to index
        %get3A_209 = arith.constant 16 : index
        %get3A_210 = tpu.vector_load %arg13[%get3A_208, %get3A_209] {strides = array<i32>} : memref<2x64xi32, #tpu.memory_space<vmem>>, vector<16xi32>,
        %sub3A_211 = vector.broadcast %mul3A_5 : i32 to vector<16xi32>
        %sub3A_212 = arith.subi %get3A_210, %sub3A_211 : vector<16xi32>
        %ge3A_213 = arith.constant 0 : i32
        %ge3A_214 = vector.broadcast %ge3A_213 : i32 to vector<16xi32>
        %ge3A_215 = arith.cmpi sge, %sub3A_212, %ge3A_214 : vector<16xi32>
        %lt3A_216 = arith.constant 5000 : i32
        %lt3A_217 = vector.broadcast %lt3A_216 : i32 to vector<16xi32>
        %lt3A_218 = arith.cmpi slt, %sub3A_212, %lt3A_217 : vector<16xi32>
        %and3A_219 = arith.andi %ge3A_215, %lt3A_218 : vector<16xi1>
        %jit3A_220 = arith.constant 5000 : i32
        %broadcast_in_dim3A_221 = vector.broadcast %jit3A_220 : i32 to vector<16xi32>
        %select_n3A_222 = arith.select %and3A_219, %sub3A_212, %broadcast_in_dim3A_221 : vector<16xi1>, vector<16xi32>
        %swap3A_223 = arith.constant 0 : i32
        %swap3A_224 = arith.index_cast %swap3A_223 : i32 to index
        %swap3A_225 = arith.constant 16 : index
        %swap3A_226 = tpu.vector_load %arg15[%swap3A_224, %swap3A_225] {strides = array<i32>} : memref<2x64xi32, #tpu.memory_space<vmem>>, vector<16xi32>,
        tpu.vector_store %arg15[%swap3A_224, %swap3A_225], %select_n3A_222 {strides = array<i32>} : memref<2x64xi32, #tpu.memory_space<vmem>>, vector<16xi32>,
        %add3A_227 = arith.constant 16 : i32
        %add3A_228 = vector.broadcast %add3A_227 : i32 to vector<16xi32>
        %add3A_229 = arith.addi %iota3A, %add3A_228 : vector<16xi32>
        %gather3A_230 = tpu.vector_load_idx %arg11[%add3A_229, %broadcast_in_dim3A_4] : memref<128x16xf32, #tpu.memory_space<vmem>>[vector<16xi32>, vector<16xi32>], vector<16xf32>,
        tpu.vector_store_idx %arg16[%select_n3A_222], %gather3A_230 {add = true} : memref<5120xf32, #tpu.memory_space<vmem>>[vector<16xi32>], vector<16xf32>,
        tpu.vector_store_idx %arg17[%select_n3A_222], %broadcast_in_dim3A_2 {add = true} : memref<5120xf32, #tpu.memory_space<vmem>>[vector<16xi32>], vector<16xf32>,
        %get3A_231 = arith.constant 0 : i32
        %get3A_232 = arith.index_cast %get3A_231 : i32 to index
        %get3A_233 = arith.constant 32 : index
        %get3A_234 = tpu.vector_load %arg13[%get3A_232, %get3A_233] {strides = array<i32>} : memref<2x64xi32, #tpu.memory_space<vmem>>, vector<16xi32>,
        %sub3A_235 = vector.broadcast %mul3A_5 : i32 to vector<16xi32>
        %sub3A_236 = arith.subi %get3A_234, %sub3A_235 : vector<16xi32>
        %ge3A_237 = arith.constant 0 : i32
        %ge3A_238 = vector.broadcast %ge3A_237 : i32 to vector<16xi32>
        %ge3A_239 = arith.cmpi sge, %sub3A_236, %ge3A_238 : vector<16xi32>
        %lt3A_240 = arith.constant 5000 : i32
        %lt3A_241 = vector.broadcast %lt3A_240 : i32 to vector<16xi32>
        %lt3A_242 = arith.cmpi slt, %sub3A_236, %lt3A_241 : vector<16xi32>
        %and3A_243 = arith.andi %ge3A_239, %lt3A_242 : vector<16xi1>
        %jit3A_244 = arith.constant 5000 : i32
        %broadcast_in_dim3A_245 = vector.broadcast %jit3A_244 : i32 to vector<16xi32>
        %select_n3A_246 = arith.select %and3A_243, %sub3A_236, %broadcast_in_dim3A_245 : vector<16xi1>, vector<16xi32>
        %swap3A_247 = arith.constant 0 : i32
        %swap3A_248 = arith.index_cast %swap3A_247 : i32 to index
        %swap3A_249 = arith.constant 32 : index
        %swap3A_250 = tpu.vector_load %arg15[%swap3A_248, %swap3A_249] {strides = array<i32>} : memref<2x64xi32, #tpu.memory_space<vmem>>, vector<16xi32>,
        tpu.vector_store %arg15[%swap3A_248, %swap3A_249], %select_n3A_246 {strides = array<i32>} : memref<2x64xi32, #tpu.memory_space<vmem>>, vector<16xi32>,
        %add3A_251 = arith.constant 32 : i32
        %add3A_252 = vector.broadcast %add3A_251 : i32 to vector<16xi32>
        %add3A_253 = arith.addi %iota3A, %add3A_252 : vector<16xi32>
        %gather3A_254 = tpu.vector_load_idx %arg11[%add3A_253, %broadcast_in_dim3A_4] : memref<128x16xf32, #tpu.memory_space<vmem>>[vector<16xi32>, vector<16xi32>], vector<16xf32>,
        tpu.vector_store_idx %arg16[%select_n3A_246], %gather3A_254 {add = true} : memref<5120xf32, #tpu.memory_space<vmem>>[vector<16xi32>], vector<16xf32>,
        tpu.vector_store_idx %arg17[%select_n3A_246], %broadcast_in_dim3A_2 {add = true} : memref<5120xf32, #tpu.memory_space<vmem>>[vector<16xi32>], vector<16xf32>,
        %get3A_255 = arith.constant 0 : i32
        %get3A_256 = arith.index_cast %get3A_255 : i32 to index
        %get3A_257 = arith.constant 48 : index
        %get3A_258 = tpu.vector_load %arg13[%get3A_256, %get3A_257] {strides = array<i32>} : memref<2x64xi32, #tpu.memory_space<vmem>>, vector<16xi32>,
        %sub3A_259 = vector.broadcast %mul3A_5 : i32 to vector<16xi32>
        %sub3A_260 = arith.subi %get3A_258, %sub3A_259 : vector<16xi32>
        %ge3A_261 = arith.constant 0 : i32
        %ge3A_262 = vector.broadcast %ge3A_261 : i32 to vector<16xi32>
        %ge3A_263 = arith.cmpi sge, %sub3A_260, %ge3A_262 : vector<16xi32>
        %lt3A_264 = arith.constant 5000 : i32
        %lt3A_265 = vector.broadcast %lt3A_264 : i32 to vector<16xi32>
        %lt3A_266 = arith.cmpi slt, %sub3A_260, %lt3A_265 : vector<16xi32>
        %and3A_267 = arith.andi %ge3A_263, %lt3A_266 : vector<16xi1>
        %jit3A_268 = arith.constant 5000 : i32
        %broadcast_in_dim3A_269 = vector.broadcast %jit3A_268 : i32 to vector<16xi32>
        %select_n3A_270 = arith.select %and3A_267, %sub3A_260, %broadcast_in_dim3A_269 : vector<16xi1>, vector<16xi32>
        %swap3A_271 = arith.constant 0 : i32
        %swap3A_272 = arith.index_cast %swap3A_271 : i32 to index
        %swap3A_273 = arith.constant 48 : index
        %swap3A_274 = tpu.vector_load %arg15[%swap3A_272, %swap3A_273] {strides = array<i32>} : memref<2x64xi32, #tpu.memory_space<vmem>>, vector<16xi32>,
        tpu.vector_store %arg15[%swap3A_272, %swap3A_273], %select_n3A_270 {strides = array<i32>} : memref<2x64xi32, #tpu.memory_space<vmem>>, vector<16xi32>,
        %add3A_275 = arith.constant 48 : i32
        %add3A_276 = vector.broadcast %add3A_275 : i32 to vector<16xi32>
        %add3A_277 = arith.addi %iota3A, %add3A_276 : vector<16xi32>
        %gather3A_278 = tpu.vector_load_idx %arg11[%add3A_277, %broadcast_in_dim3A_4] : memref<128x16xf32, #tpu.memory_space<vmem>>[vector<16xi32>, vector<16xi32>], vector<16xf32>,
        tpu.vector_store_idx %arg16[%select_n3A_270], %gather3A_278 {add = true} : memref<5120xf32, #tpu.memory_space<vmem>>[vector<16xi32>], vector<16xf32>,
        tpu.vector_store_idx %arg17[%select_n3A_270], %broadcast_in_dim3A_2 {add = true} : memref<5120xf32, #tpu.memory_space<vmem>>[vector<16xi32>], vector<16xf32>,
        %get3A_279 = arith.constant 1 : i32
        %get3A_280 = arith.index_cast %get3A_279 : i32 to index
        %get3A_281 = arith.constant 0 : index
        %get3A_282 = tpu.vector_load %arg13[%get3A_280, %get3A_281] {strides = array<i32>} : memref<2x64xi32, #tpu.memory_space<vmem>>, vector<16xi32>,
        %sub3A_283 = vector.broadcast %mul3A_5 : i32 to vector<16xi32>
        %sub3A_284 = arith.subi %get3A_282, %sub3A_283 : vector<16xi32>
        %ge3A_285 = arith.constant 0 : i32
        %ge3A_286 = vector.broadcast %ge3A_285 : i32 to vector<16xi32>
        %ge3A_287 = arith.cmpi sge, %sub3A_284, %ge3A_286 : vector<16xi32>
        %lt3A_288 = arith.constant 5000 : i32
        %lt3A_289 = vector.broadcast %lt3A_288 : i32 to vector<16xi32>
        %lt3A_290 = arith.cmpi slt, %sub3A_284, %lt3A_289 : vector<16xi32>
        %and3A_291 = arith.andi %ge3A_287, %lt3A_290 : vector<16xi1>
        %jit3A_292 = arith.constant 5000 : i32
        %broadcast_in_dim3A_293 = vector.broadcast %jit3A_292 : i32 to vector<16xi32>
        %select_n3A_294 = arith.select %and3A_291, %sub3A_284, %broadcast_in_dim3A_293 : vector<16xi1>, vector<16xi32>
        %swap3A_295 = arith.constant 1 : i32
        %swap3A_296 = arith.index_cast %swap3A_295 : i32 to index
        %swap3A_297 = arith.constant 0 : index
        %swap3A_298 = tpu.vector_load %arg15[%swap3A_296, %swap3A_297] {strides = array<i32>} : memref<2x64xi32, #tpu.memory_space<vmem>>, vector<16xi32>,
        tpu.vector_store %arg15[%swap3A_296, %swap3A_297], %select_n3A_294 {strides = array<i32>} : memref<2x64xi32, #tpu.memory_space<vmem>>, vector<16xi32>,
        %add3A_299 = arith.constant 64 : i32
        %add3A_300 = vector.broadcast %add3A_299 : i32 to vector<16xi32>
        %add3A_301 = arith.addi %iota3A, %add3A_300 : vector<16xi32>
        %gather3A_302 = tpu.vector_load_idx %arg11[%add3A_301, %broadcast_in_dim3A_4] : memref<128x16xf32, #tpu.memory_space<vmem>>[vector<16xi32>, vector<16xi32>], vector<16xf32>,
        tpu.vector_store_idx %arg16[%select_n3A_294], %gather3A_302 {add = true} : memref<5120xf32, #tpu.memory_space<vmem>>[vector<16xi32>], vector<16xf32>,
        tpu.vector_store_idx %arg17[%select_n3A_294], %broadcast_in_dim3A_2 {add = true} : memref<5120xf32, #tpu.memory_space<vmem>>[vector<16xi32>], vector<16xf32>,
        %get3A_303 = arith.constant 1 : i32
        %get3A_304 = arith.index_cast %get3A_303 : i32 to index
        %get3A_305 = arith.constant 16 : index
        %get3A_306 = tpu.vector_load %arg13[%get3A_304, %get3A_305] {strides = array<i32>} : memref<2x64xi32, #tpu.memory_space<vmem>>, vector<16xi32>,
        %sub3A_307 = vector.broadcast %mul3A_5 : i32 to vector<16xi32>
        %sub3A_308 = arith.subi %get3A_306, %sub3A_307 : vector<16xi32>
        %ge3A_309 = arith.constant 0 : i32
        %ge3A_310 = vector.broadcast %ge3A_309 : i32 to vector<16xi32>
        %ge3A_311 = arith.cmpi sge, %sub3A_308, %ge3A_310 : vector<16xi32>
        %lt3A_312 = arith.constant 5000 : i32
        %lt3A_313 = vector.broadcast %lt3A_312 : i32 to vector<16xi32>
        %lt3A_314 = arith.cmpi slt, %sub3A_308, %lt3A_313 : vector<16xi32>
        %and3A_315 = arith.andi %ge3A_311, %lt3A_314 : vector<16xi1>
        %jit3A_316 = arith.constant 5000 : i32
        %broadcast_in_dim3A_317 = vector.broadcast %jit3A_316 : i32 to vector<16xi32>
        %select_n3A_318 = arith.select %and3A_315, %sub3A_308, %broadcast_in_dim3A_317 : vector<16xi1>, vector<16xi32>
        %swap3A_319 = arith.constant 1 : i32
        %swap3A_320 = arith.index_cast %swap3A_319 : i32 to index
        %swap3A_321 = arith.constant 16 : index
        %swap3A_322 = tpu.vector_load %arg15[%swap3A_320, %swap3A_321] {strides = array<i32>} : memref<2x64xi32, #tpu.memory_space<vmem>>, vector<16xi32>,
        tpu.vector_store %arg15[%swap3A_320, %swap3A_321], %select_n3A_318 {strides = array<i32>} : memref<2x64xi32, #tpu.memory_space<vmem>>, vector<16xi32>,
        %add3A_323 = arith.constant 80 : i32
        %add3A_324 = vector.broadcast %add3A_323 : i32 to vector<16xi32>
        %add3A_325 = arith.addi %iota3A, %add3A_324 : vector<16xi32>
        %gather3A_326 = tpu.vector_load_idx %arg11[%add3A_325, %broadcast_in_dim3A_4] : memref<128x16xf32, #tpu.memory_space<vmem>>[vector<16xi32>, vector<16xi32>], vector<16xf32>,
        tpu.vector_store_idx %arg16[%select_n3A_318], %gather3A_326 {add = true} : memref<5120xf32, #tpu.memory_space<vmem>>[vector<16xi32>], vector<16xf32>,
        tpu.vector_store_idx %arg17[%select_n3A_318], %broadcast_in_dim3A_2 {add = true} : memref<5120xf32, #tpu.memory_space<vmem>>[vector<16xi32>], vector<16xf32>,
        %get3A_327 = arith.constant 1 : i32
        %get3A_328 = arith.index_cast %get3A_327 : i32 to index
        %get3A_329 = arith.constant 32 : index
        %get3A_330 = tpu.vector_load %arg13[%get3A_328, %get3A_329] {strides = array<i32>} : memref<2x64xi32, #tpu.memory_space<vmem>>, vector<16xi32>,
        %sub3A_331 = vector.broadcast %mul3A_5 : i32 to vector<16xi32>
        %sub3A_332 = arith.subi %get3A_330, %sub3A_331 : vector<16xi32>
        %ge3A_333 = arith.constant 0 : i32
        %ge3A_334 = vector.broadcast %ge3A_333 : i32 to vector<16xi32>
        %ge3A_335 = arith.cmpi sge, %sub3A_332, %ge3A_334 : vector<16xi32>
        %lt3A_336 = arith.constant 5000 : i32
        %lt3A_337 = vector.broadcast %lt3A_336 : i32 to vector<16xi32>
        %lt3A_338 = arith.cmpi slt, %sub3A_332, %lt3A_337 : vector<16xi32>
        %and3A_339 = arith.andi %ge3A_335, %lt3A_338 : vector<16xi1>
        %jit3A_340 = arith.constant 5000 : i32
        %broadcast_in_dim3A_341 = vector.broadcast %jit3A_340 : i32 to vector<16xi32>
        %select_n3A_342 = arith.select %and3A_339, %sub3A_332, %broadcast_in_dim3A_341 : vector<16xi1>, vector<16xi32>
        %swap3A_343 = arith.constant 1 : i32
        %swap3A_344 = arith.index_cast %swap3A_343 : i32 to index
        %swap3A_345 = arith.constant 32 : index
        %swap3A_346 = tpu.vector_load %arg15[%swap3A_344, %swap3A_345] {strides = array<i32>} : memref<2x64xi32, #tpu.memory_space<vmem>>, vector<16xi32>,
        tpu.vector_store %arg15[%swap3A_344, %swap3A_345], %select_n3A_342 {strides = array<i32>} : memref<2x64xi32, #tpu.memory_space<vmem>>, vector<16xi32>,
        %add3A_347 = arith.constant 96 : i32
        %add3A_348 = vector.broadcast %add3A_347 : i32 to vector<16xi32>
        %add3A_349 = arith.addi %iota3A, %add3A_348 : vector<16xi32>
        %gather3A_350 = tpu.vector_load_idx %arg11[%add3A_349, %broadcast_in_dim3A_4] : memref<128x16xf32, #tpu.memory_space<vmem>>[vector<16xi32>, vector<16xi32>], vector<16xf32>,
        tpu.vector_store_idx %arg16[%select_n3A_342], %gather3A_350 {add = true} : memref<5120xf32, #tpu.memory_space<vmem>>[vector<16xi32>], vector<16xf32>,
        tpu.vector_store_idx %arg17[%select_n3A_342], %broadcast_in_dim3A_2 {add = true} : memref<5120xf32, #tpu.memory_space<vmem>>[vector<16xi32>], vector<16xf32>,
        %get3A_351 = arith.constant 1 : i32
        %get3A_352 = arith.index_cast %get3A_351 : i32 to index
        %get3A_353 = arith.constant 48 : index
        %get3A_354 = tpu.vector_load %arg13[%get3A_352, %get3A_353] {strides = array<i32>} : memref<2x64xi32, #tpu.memory_space<vmem>>, vector<16xi32>,
        %sub3A_355 = vector.broadcast %mul3A_5 : i32 to vector<16xi32>
        %sub3A_356 = arith.subi %get3A_354, %sub3A_355 : vector<16xi32>
        %ge3A_357 = arith.constant 0 : i32
        %ge3A_358 = vector.broadcast %ge3A_357 : i32 to vector<16xi32>
        %ge3A_359 = arith.cmpi sge, %sub3A_356, %ge3A_358 : vector<16xi32>
        %lt3A_360 = arith.constant 5000 : i32
        %lt3A_361 = vector.broadcast %lt3A_360 : i32 to vector<16xi32>
        %lt3A_362 = arith.cmpi slt, %sub3A_356, %lt3A_361 : vector<16xi32>
        %and3A_363 = arith.andi %ge3A_359, %lt3A_362 : vector<16xi1>
        %jit3A_364 = arith.constant 5000 : i32
        %broadcast_in_dim3A_365 = vector.broadcast %jit3A_364 : i32 to vector<16xi32>
        %select_n3A_366 = arith.select %and3A_363, %sub3A_356, %broadcast_in_dim3A_365 : vector<16xi1>, vector<16xi32>
        %swap3A_367 = arith.constant 1 : i32
        %swap3A_368 = arith.index_cast %swap3A_367 : i32 to index
        %swap3A_369 = arith.constant 48 : index
        %swap3A_370 = tpu.vector_load %arg15[%swap3A_368, %swap3A_369] {strides = array<i32>} : memref<2x64xi32, #tpu.memory_space<vmem>>, vector<16xi32>,
        tpu.vector_store %arg15[%swap3A_368, %swap3A_369], %select_n3A_366 {strides = array<i32>} : memref<2x64xi32, #tpu.memory_space<vmem>>, vector<16xi32>,
        %add3A_371 = arith.constant 112 : i32
        %add3A_372 = vector.broadcast %add3A_371 : i32 to vector<16xi32>
        %add3A_373 = arith.addi %iota3A, %add3A_372 : vector<16xi32>
        %gather3A_374 = tpu.vector_load_idx %arg11[%add3A_373, %broadcast_in_dim3A_4] : memref<128x16xf32, #tpu.memory_space<vmem>>[vector<16xi32>, vector<16xi32>], vector<16xf32>,
        tpu.vector_store_idx %arg16[%select_n3A_366], %gather3A_374 {add = true} : memref<5120xf32, #tpu.memory_space<vmem>>[vector<16xi32>], vector<16xf32>,
        tpu.vector_store_idx %arg17[%select_n3A_366], %broadcast_in_dim3A_2 {add = true} : memref<5120xf32, #tpu.memory_space<vmem>>[vector<16xi32>], vector<16xf32>,
        %dma_wait3A_375 = arith.constant 0 : i32
        %dma_wait3A_376 = tpu.memref_slice %arg2[%mul3A_173, %dma_wait3A_375] : memref<320000x128xf32, #tpu.memory_space<hbm>> -> memref<128x128xf32, #tpu.memory_space<hbm>>
        %dma_wait3A_377 = arith.constant 0 : i32
        %dma_wait3A_378 = tpu.memref_slice %arg2[%mul3A_173, %dma_wait3A_377] : memref<320000x128xf32, #tpu.memory_space<hbm>> -> memref<128x128xf32, #tpu.memory_space<hbm>>
        tpu.wait_dma2 semaphore(%arg18 : memref<!tpu.dma_semaphore, #tpu.memory_space<semaphore_mem>>) src(%dma_wait3A_378 : memref<128x128xf32, #tpu.memory_space<hbm>>) dst(%arg9 : memref<128x128xf32, #tpu.memory_space<vmem>>)
        %scan3A_379 = arith.constant 0 : i32
        %scan3A_380 = arith.constant 0 : i32
        %scan3A_381 = arith.constant 128 : i32
        %scan3A_382 = arith.addi %scan3A_380, %scan3A_381 : i32
        %scan3A_383 = arith.constant 1 : i32
        scf.for %scan3A_405 = %scan3A_380 to %scan3A_382 step %scan3A_383  : i32 {
          %get3A_406 = arith.index_cast %scan3A_405 : i32 to index
          %get3A_407 = arith.constant 0 : index
          %get3A_408 = tpu.vector_load %arg11[%get3A_406, %get3A_407] {strides = array<i32>} : memref<128x16xf32, #tpu.memory_space<vmem>>, vector<16xf32>,
          %get3A_409 = arith.index_cast %scan3A_405 : i32 to index
          %get3A_410 = arith.constant 0 : index
          %get3A_411 = tpu.vector_load %arg9[%get3A_409, %get3A_410] {strides = array<i32>} : memref<128x128xf32, #tpu.memory_space<vmem>>, vector<16xf32>,
          %mul3A_412 = arith.mulf %get3A_411, %get3A_408 : vector<16xf32>
          %swap3A_413 = arith.index_cast %scan3A_405 : i32 to index
          %swap3A_414 = arith.constant 0 : index
          %swap3A_415 = tpu.vector_load %arg9[%swap3A_413, %swap3A_414] {strides = array<i32>} : memref<128x128xf32, #tpu.memory_space<vmem>>, vector<16xf32>,
          tpu.vector_store %arg9[%swap3A_413, %swap3A_414], %mul3A_412 {strides = array<i32>} : memref<128x128xf32, #tpu.memory_space<vmem>>, vector<16xf32>,
          %get3A_416 = arith.index_cast %scan3A_405 : i32 to index
          %get3A_417 = arith.constant 16 : index
          %get3A_418 = tpu.vector_load %arg9[%get3A_416, %get3A_417] {strides = array<i32>} : memref<128x128xf32, #tpu.memory_space<vmem>>, vector<16xf32>,
          %mul3A_419 = arith.mulf %get3A_418, %get3A_408 : vector<16xf32>
          %swap3A_420 = arith.index_cast %scan3A_405 : i32 to index
          %swap3A_421 = arith.constant 16 : index
          %swap3A_422 = tpu.vector_load %arg9[%swap3A_420, %swap3A_421] {strides = array<i32>} : memref<128x128xf32, #tpu.memory_space<vmem>>, vector<16xf32>,
          tpu.vector_store %arg9[%swap3A_420, %swap3A_421], %mul3A_419 {strides = array<i32>} : memref<128x128xf32, #tpu.memory_space<vmem>>, vector<16xf32>,
          %get3A_423 = arith.index_cast %scan3A_405 : i32 to index
          %get3A_424 = arith.constant 32 : index
          %get3A_425 = tpu.vector_load %arg9[%get3A_423, %get3A_424] {strides = array<i32>} : memref<128x128xf32, #tpu.memory_space<vmem>>, vector<16xf32>,
          %mul3A_426 = arith.mulf %get3A_425, %get3A_408 : vector<16xf32>
          %swap3A_427 = arith.index_cast %scan3A_405 : i32 to index
          %swap3A_428 = arith.constant 32 : index
          %swap3A_429 = tpu.vector_load %arg9[%swap3A_427, %swap3A_428] {strides = array<i32>} : memref<128x128xf32, #tpu.memory_space<vmem>>, vector<16xf32>,
          tpu.vector_store %arg9[%swap3A_427, %swap3A_428], %mul3A_426 {strides = array<i32>} : memref<128x128xf32, #tpu.memory_space<vmem>>, vector<16xf32>,
          %get3A_430 = arith.index_cast %scan3A_405 : i32 to index
          %get3A_431 = arith.constant 48 : index
          %get3A_432 = tpu.vector_load %arg9[%get3A_430, %get3A_431] {strides = array<i32>} : memref<128x128xf32, #tpu.memory_space<vmem>>, vector<16xf32>,
          %mul3A_433 = arith.mulf %get3A_432, %get3A_408 : vector<16xf32>
          %swap3A_434 = arith.index_cast %scan3A_405 : i32 to index
          %swap3A_435 = arith.constant 48 : index
          %swap3A_436 = tpu.vector_load %arg9[%swap3A_434, %swap3A_435] {strides = array<i32>} : memref<128x128xf32, #tpu.memory_space<vmem>>, vector<16xf32>,
          tpu.vector_store %arg9[%swap3A_434, %swap3A_435], %mul3A_433 {strides = array<i32>} : memref<128x128xf32, #tpu.memory_space<vmem>>, vector<16xf32>,
          %get3A_437 = arith.index_cast %scan3A_405 : i32 to index
          %get3A_438 = arith.constant 64 : index
          %get3A_439 = tpu.vector_load %arg9[%get3A_437, %get3A_438] {strides = array<i32>} : memref<128x128xf32, #tpu.memory_space<vmem>>, vector<16xf32>,
          %mul3A_440 = arith.mulf %get3A_439, %get3A_408 : vector<16xf32>
          %swap3A_441 = arith.index_cast %scan3A_405 : i32 to index
          %swap3A_442 = arith.constant 64 : index
          %swap3A_443 = tpu.vector_load %arg9[%swap3A_441, %swap3A_442] {strides = array<i32>} : memref<128x128xf32, #tpu.memory_space<vmem>>, vector<16xf32>,
          tpu.vector_store %arg9[%swap3A_441, %swap3A_442], %mul3A_440 {strides = array<i32>} : memref<128x128xf32, #tpu.memory_space<vmem>>, vector<16xf32>,
          %get3A_444 = arith.index_cast %scan3A_405 : i32 to index
          %get3A_445 = arith.constant 80 : index
          %get3A_446 = tpu.vector_load %arg9[%get3A_444, %get3A_445] {strides = array<i32>} : memref<128x128xf32, #tpu.memory_space<vmem>>, vector<16xf32>,
          %mul3A_447 = arith.mulf %get3A_446, %get3A_408 : vector<16xf32>
          %swap3A_448 = arith.index_cast %scan3A_405 : i32 to index
          %swap3A_449 = arith.constant 80 : index
          %swap3A_450 = tpu.vector_load %arg9[%swap3A_448, %swap3A_449] {strides = array<i32>} : memref<128x128xf32, #tpu.memory_space<vmem>>, vector<16xf32>,
          tpu.vector_store %arg9[%swap3A_448, %swap3A_449], %mul3A_447 {strides = array<i32>} : memref<128x128xf32, #tpu.memory_space<vmem>>, vector<16xf32>,
          %get3A_451 = arith.index_cast %scan3A_405 : i32 to index
          %get3A_452 = arith.constant 96 : index
          %get3A_453 = tpu.vector_load %arg9[%get3A_451, %get3A_452] {strides = array<i32>} : memref<128x128xf32, #tpu.memory_space<vmem>>, vector<16xf32>,
          %mul3A_454 = arith.mulf %get3A_453, %get3A_408 : vector<16xf32>
          %swap3A_455 = arith.index_cast %scan3A_405 : i32 to index
          %swap3A_456 = arith.constant 96 : index
          %swap3A_457 = tpu.vector_load %arg9[%swap3A_455, %swap3A_456] {strides = array<i32>} : memref<128x128xf32, #tpu.memory_space<vmem>>, vector<16xf32>,
          tpu.vector_store %arg9[%swap3A_455, %swap3A_456], %mul3A_454 {strides = array<i32>} : memref<128x128xf32, #tpu.memory_space<vmem>>, vector<16xf32>,
          %get3A_458 = arith.index_cast %scan3A_405 : i32 to index
          %get3A_459 = arith.constant 112 : index
          %get3A_460 = tpu.vector_load %arg9[%get3A_458, %get3A_459] {strides = array<i32>} : memref<128x128xf32, #tpu.memory_space<vmem>>, vector<16xf32>,
          %mul3A_461 = arith.mulf %get3A_460, %get3A_408 : vector<16xf32>
          %swap3A_462 = arith.index_cast %scan3A_405 : i32 to index
          %swap3A_463 = arith.constant 112 : index
          %swap3A_464 = tpu.vector_load %arg9[%swap3A_462, %swap3A_463] {strides = array<i32>} : memref<128x128xf32, #tpu.memory_space<vmem>>, vector<16xf32>,
          tpu.vector_store %arg9[%swap3A_462, %swap3A_463], %mul3A_461 {strides = array<i32>} : memref<128x128xf32, #tpu.memory_space<vmem>>, vector<16xf32>,
        }
        %scan3A_384 = arith.constant 128 : i32
        %dma_start3A_385 = arith.constant 0 : i32
        %dma_start3A_386 = arith.constant 0 : i32
        %dma_start3A_387 = arith.constant 0 : i32
        %dma_start3A_388 = tpu.memref_slice %arg9[%dma_start3A_386, %dma_start3A_387] : memref<128x128xf32, #tpu.memory_space<vmem>> -> memref<64x128xf32, #tpu.memory_space<vmem>>
        %dma_start3A_389 = arith.constant 0 : i32
        %dma_start3A_390 = tpu.memref_slice %arg15[%dma_start3A_385, %dma_start3A_389] : memref<2x64xi32, #tpu.memory_space<vmem>> -> memref<1x64xi32, #tpu.memory_space<vmem>>
        %dma_start3A_391 = tpu.memref_squeeze %dma_start3A_390 : memref<1x64xi32, #tpu.memory_space<vmem>> -> memref<64xi32, #tpu.memory_space<vmem>>
        %dma_start3A_392 = arith.constant 0 : i32
        %dma_start3A_393 = arith.constant 0 : i32
        %dma_start3A_394 = tpu.memref_slice %arg24[%dma_start3A_392, %dma_start3A_393] : memref<5120x128xf32, #tpu.memory_space<vmem_shared>> -> memref<5120x128xf32, #tpu.memory_space<vmem_shared>>
        tpu.enqueue_indirect_dma source(%dma_start3A_388 : memref<64x128xf32, #tpu.memory_space<vmem>>) target(%dma_start3A_394 : memref<5120x128xf32, #tpu.memory_space<vmem_shared>>) offsets(%dma_start3A_391 : memref<64xi32, #tpu.memory_space<vmem>>) semaphore(%arg23 : memref<!tpu.dma_semaphore, #tpu.memory_space<semaphore_mem>>) {add = true}
        %dma_start3A_395 = arith.constant 1 : i32
        %dma_start3A_396 = arith.constant 64 : i32
        %dma_start3A_397 = arith.constant 0 : i32
        %dma_start3A_398 = tpu.memref_slice %arg9[%dma_start3A_396, %dma_start3A_397] : memref<128x128xf32, #tpu.memory_space<vmem>> -> memref<64x128xf32, #tpu.memory_space<vmem>>
        %dma_start3A_399 = arith.constant 0 : i32
        %dma_start3A_400 = tpu.memref_slice %arg15[%dma_start3A_395, %dma_start3A_399] : memref<2x64xi32, #tpu.memory_space<vmem>> -> memref<1x64xi32, #tpu.memory_space<vmem>>
        %dma_start3A_401 = tpu.memref_squeeze %dma_start3A_400 : memref<1x64xi32, #tpu.memory_space<vmem>> -> memref<64xi32, #tpu.memory_space<vmem>>
        %dma_start3A_402 = arith.constant 0 : i32
        %dma_start3A_403 = arith.constant 0 : i32
        %dma_start3A_404 = tpu.memref_slice %arg24[%dma_start3A_402, %dma_start3A_403] : memref<5120x128xf32, #tpu.memory_space<vmem_shared>> -> memref<5120x128xf32, #tpu.memory_space<vmem_shared>>
        tpu.enqueue_indirect_dma source(%dma_start3A_398 : memref<64x128xf32, #tpu.memory_space<vmem>>) target(%dma_start3A_404 : memref<5120x128xf32, #tpu.memory_space<vmem_shared>>) offsets(%dma_start3A_401 : memref<64xi32, #tpu.memory_space<vmem>>) semaphore(%arg23 : memref<!tpu.dma_semaphore, #tpu.memory_space<semaphore_mem>>) {add = true}
      } else {
      }
      %jit3A_165 = arith.constant 2 : i32
      %select_n3A_166 = arith.select %and3A_161, %jit3A_165, %scan3A_82 : i32
      scf.yield %select_n3A, %select_n3A_166 : i32, i32
    }
    %scan3A_42 = arith.constant 79 : i32
    %add3A_43 = arith.constant 2528 : i32
    %add3A_44 = arith.addi %arg1, %add3A_43 : i32
    %dma_wait3A = arith.constant 0 : i32
    %dma_wait3A_45 = arith.constant 0 : i32
    %dma_wait3A_46 = tpu.memref_slice %arg4[%add3A_44, %dma_wait3A, %dma_wait3A_45] : memref<2544x2x64xi32, #tpu.memory_space<hbm>> -> memref<1x2x64xi32, #tpu.memory_space<hbm>>
    %dma_wait3A_47 = tpu.memref_squeeze %dma_wait3A_46 : memref<1x2x64xi32, #tpu.memory_space<hbm>> -> memref<2x64xi32, #tpu.memory_space<hbm>>
    %dma_wait3A_48 = arith.constant 0 : i32
    %dma_wait3A_49 = arith.constant 0 : i32
    %dma_wait3A_50 = tpu.memref_slice %arg4[%add3A_44, %dma_wait3A_48, %dma_wait3A_49] : memref<2544x2x64xi32, #tpu.memory_space<hbm>> -> memref<1x2x64xi32, #tpu.memory_space<hbm>>
    %dma_wait3A_51 = tpu.memref_squeeze %dma_wait3A_50 : memref<1x2x64xi32, #tpu.memory_space<hbm>> -> memref<2x64xi32, #tpu.memory_space<hbm>>
    tpu.wait_dma2 semaphore(%arg20 : memref<!tpu.dma_semaphore, #tpu.memory_space<semaphore_mem>>) src(%dma_wait3A_51 : memref<2x64xi32, #tpu.memory_space<hbm>>) dst(%arg12 : memref<2x64xi32, #tpu.memory_space<vmem>>)
    %gt3A = arith.constant 0 : i32
    %gt3A_52 = arith.cmpi sgt, %scan3A_41#0, %gt3A : i32
    %convert_element_type3A = arith.extui %gt3A_52 : i1 to i32
    %cond3A = arith.constant 0 : i32
    %cond3A_53 = arith.cmpi ne, %convert_element_type3A, %cond3A : i32
    scf.if %cond3A_53 {
      %dma_wait3A_80 = arith.constant 0 : i32
      %dma_wait3A_81 = arith.constant 0 : i32
      %dma_wait3A_82 = tpu.memref_slice %arg8[%dma_wait3A_80, %dma_wait3A_81] : memref<128x128xf32, #tpu.memory_space<vmem>> -> memref<64x128xf32, #tpu.memory_space<vmem>>
      %dma_wait3A_83 = arith.constant 0 : i32
      %dma_wait3A_84 = arith.constant 0 : i32
      %dma_wait3A_85 = tpu.memref_slice %arg2[%dma_wait3A_83, %dma_wait3A_84] : memref<320000x128xf32, #tpu.memory_space<hbm>> -> memref<64x128xf32, #tpu.memory_space<hbm>>
      %dma_wait3A_86 = arith.constant 0 : i32
      %dma_wait3A_87 = arith.constant 0 : i32
      %dma_wait3A_88 = tpu.memref_slice %arg8[%dma_wait3A_86, %dma_wait3A_87] : memref<128x128xf32, #tpu.memory_space<vmem>> -> memref<64x128xf32, #tpu.memory_space<vmem>>
      %dma_wait3A_89 = arith.constant 0 : i32
      %dma_wait3A_90 = arith.constant 0 : i32
      %dma_wait3A_91 = tpu.memref_slice %arg2[%dma_wait3A_89, %dma_wait3A_90] : memref<320000x128xf32, #tpu.memory_space<hbm>> -> memref<64x128xf32, #tpu.memory_space<hbm>>
      tpu.wait_dma2 semaphore(%arg22 : memref<!tpu.dma_semaphore, #tpu.memory_space<semaphore_mem>>) src(%dma_wait3A_91 : memref<64x128xf32, #tpu.memory_space<hbm>>) dst(%dma_wait3A_88 : memref<64x128xf32, #tpu.memory_space<vmem>>)
      %dma_wait3A_92 = arith.constant 64 : i32
      %dma_wait3A_93 = arith.constant 0 : i32
      %dma_wait3A_94 = tpu.memref_slice %arg8[%dma_wait3A_92, %dma_wait3A_93] : memref<128x128xf32, #tpu.memory_space<vmem>> -> memref<64x128xf32, #tpu.memory_space<vmem>>
      %dma_wait3A_95 = arith.constant 0 : i32
      %dma_wait3A_96 = arith.constant 0 : i32
      %dma_wait3A_97 = tpu.memref_slice %arg2[%dma_wait3A_95, %dma_wait3A_96] : memref<320000x128xf32, #tpu.memory_space<hbm>> -> memref<64x128xf32, #tpu.memory_space<hbm>>
      %dma_wait3A_98 = arith.constant 64 : i32
      %dma_wait3A_99 = arith.constant 0 : i32
      %dma_wait3A_100 = tpu.memref_slice %arg8[%dma_wait3A_98, %dma_wait3A_99] : memref<128x128xf32, #tpu.memory_space<vmem>> -> memref<64x128xf32, #tpu.memory_space<vmem>>
      %dma_wait3A_101 = arith.constant 0 : i32
      %dma_wait3A_102 = arith.constant 0 : i32
      %dma_wait3A_103 = tpu.memref_slice %arg2[%dma_wait3A_101, %dma_wait3A_102] : memref<320000x128xf32, #tpu.memory_space<hbm>> -> memref<64x128xf32, #tpu.memory_space<hbm>>
      tpu.wait_dma2 semaphore(%arg22 : memref<!tpu.dma_semaphore, #tpu.memory_space<semaphore_mem>>) src(%dma_wait3A_103 : memref<64x128xf32, #tpu.memory_space<hbm>>) dst(%dma_wait3A_100 : memref<64x128xf32, #tpu.memory_space<vmem>>)
    } else {
    }
    %gt3A_54 = arith.constant 0 : i32
    %gt3A_55 = arith.cmpi sgt, %scan3A_41#1, %gt3A_54 : i32
    %convert_element_type3A_56 = arith.extui %gt3A_55 : i1 to i32
    %cond3A_57 = arith.constant 0 : i32
    %cond3A_58 = arith.cmpi ne, %convert_element_type3A_56, %cond3A_57 : i32
    scf.if %cond3A_58 {
      %dma_wait3A_80 = arith.constant 0 : i32
      %dma_wait3A_81 = arith.constant 0 : i32
      %dma_wait3A_82 = tpu.memref_slice %arg9[%dma_wait3A_80, %dma_wait3A_81] : memref<128x128xf32, #tpu.memory_space<vmem>> -> memref<64x128xf32, #tpu.memory_space<vmem>>
      %dma_wait3A_83 = arith.constant 0 : i32
      %dma_wait3A_84 = arith.constant 0 : i32
      %dma_wait3A_85 = tpu.memref_slice %arg2[%dma_wait3A_83, %dma_wait3A_84] : memref<320000x128xf32, #tpu.memory_space<hbm>> -> memref<64x128xf32, #tpu.memory_space<hbm>>
      %dma_wait3A_86 = arith.constant 0 : i32
      %dma_wait3A_87 = arith.constant 0 : i32
      %dma_wait3A_88 = tpu.memref_slice %arg9[%dma_wait3A_86, %dma_wait3A_87] : memref<128x128xf32, #tpu.memory_space<vmem>> -> memref<64x128xf32, #tpu.memory_space<vmem>>
      %dma_wait3A_89 = arith.constant 0 : i32
      %dma_wait3A_90 = arith.constant 0 : i32
      %dma_wait3A_91 = tpu.memref_slice %arg2[%dma_wait3A_89, %dma_wait3A_90] : memref<320000x128xf32, #tpu.memory_space<hbm>> -> memref<64x128xf32, #tpu.memory_space<hbm>>
      tpu.wait_dma2 semaphore(%arg23 : memref<!tpu.dma_semaphore, #tpu.memory_space<semaphore_mem>>) src(%dma_wait3A_91 : memref<64x128xf32, #tpu.memory_space<hbm>>) dst(%dma_wait3A_88 : memref<64x128xf32, #tpu.memory_space<vmem>>)
      %dma_wait3A_92 = arith.constant 64 : i32
      %dma_wait3A_93 = arith.constant 0 : i32
      %dma_wait3A_94 = tpu.memref_slice %arg9[%dma_wait3A_92, %dma_wait3A_93] : memref<128x128xf32, #tpu.memory_space<vmem>> -> memref<64x128xf32, #tpu.memory_space<vmem>>
      %dma_wait3A_95 = arith.constant 0 : i32
      %dma_wait3A_96 = arith.constant 0 : i32
      %dma_wait3A_97 = tpu.memref_slice %arg2[%dma_wait3A_95, %dma_wait3A_96] : memref<320000x128xf32, #tpu.memory_space<hbm>> -> memref<64x128xf32, #tpu.memory_space<hbm>>
      %dma_wait3A_98 = arith.constant 64 : i32
      %dma_wait3A_99 = arith.constant 0 : i32
      %dma_wait3A_100 = tpu.memref_slice %arg9[%dma_wait3A_98, %dma_wait3A_99] : memref<128x128xf32, #tpu.memory_space<vmem>> -> memref<64x128xf32, #tpu.memory_space<vmem>>
      %dma_wait3A_101 = arith.constant 0 : i32
      %dma_wait3A_102 = arith.constant 0 : i32
      %dma_wait3A_103 = tpu.memref_slice %arg2[%dma_wait3A_101, %dma_wait3A_102] : memref<320000x128xf32, #tpu.memory_space<hbm>> -> memref<64x128xf32, #tpu.memory_space<hbm>>
      tpu.wait_dma2 semaphore(%arg23 : memref<!tpu.dma_semaphore, #tpu.memory_space<semaphore_mem>>) src(%dma_wait3A_103 : memref<64x128xf32, #tpu.memory_space<hbm>>) dst(%dma_wait3A_100 : memref<64x128xf32, #tpu.memory_space<vmem>>)
    } else {
    }
    %barrier3A_59 = arith.constant 0 : index
    tpu.barrier barrier_id(%barrier3A_59)
    %add3A_60 = arith.constant 0 : i32
    %add3A_61 = arith.addi %mul3A_18, %add3A_60 : i32
    "tpu.region"() ({
      %run_scoped3A = tpu.sem_alloc : memref<!tpu.dma_semaphore, #tpu.memory_space<semaphore_mem>>
      %dma_start3A_80 = arith.constant 0 : i32
      %dma_start3A_81 = arith.constant 0 : i32
      %dma_start3A_82 = tpu.memref_slice %arg8[%dma_start3A_80, %dma_start3A_81] : memref<128x128xf32, #tpu.memory_space<vmem>> -> memref<64x128xf32, #tpu.memory_space<vmem>>
      %dma_start3A_83 = arith.constant 0 : i32
      %dma_start3A_84 = tpu.memref_slice %arg24[%add3A_61, %dma_start3A_83] : memref<5120x128xf32, #tpu.memory_space<vmem_shared>> -> memref<64x128xf32, #tpu.memory_space<vmem_shared>>
      %dma_start3A_85 = arith.constant 0 : i32
      %dma_start3A_86 = arith.constant 0 : i32
      %dma_start3A_87 = tpu.memref_slice %arg8[%dma_start3A_85, %dma_start3A_86] : memref<128x128xf32, #tpu.memory_space<vmem>> -> memref<64x128xf32, #tpu.memory_space<vmem>>
      %dma_start3A_88 = arith.constant 0 : i32
      %dma_start3A_89 = tpu.memref_slice %arg24[%add3A_61, %dma_start3A_88] : memref<5120x128xf32, #tpu.memory_space<vmem_shared>> -> memref<64x128xf32, #tpu.memory_space<vmem_shared>>
      tpu.enqueue_dma source(%dma_start3A_89 : memref<64x128xf32, #tpu.memory_space<vmem_shared>>) target(%dma_start3A_87 : memref<64x128xf32, #tpu.memory_space<vmem>>) target_semaphore(%run_scoped3A : memref<!tpu.dma_semaphore, #tpu.memory_space<semaphore_mem>>)
      %dma_wait3A_90 = arith.constant 0 : i32
      %dma_wait3A_91 = arith.constant 0 : i32
      %dma_wait3A_92 = tpu.memref_slice %arg8[%dma_wait3A_90, %dma_wait3A_91] : memref<128x128xf32, #tpu.memory_space<vmem>> -> memref<64x128xf32, #tpu.memory_space<vmem>>
      %dma_wait3A_93 = arith.constant 0 : i32
      %dma_wait3A_94 = tpu.memref_slice %arg24[%add3A_61, %dma_wait3A_93] : memref<5120x128xf32, #tpu.memory_space<vmem_shared>> -> memref<64x128xf32, #tpu.memory_space<vmem_shared>>
      %dma_wait3A_95 = arith.constant 0 : i32
      %dma_wait3A_96 = arith.constant 0 : i32
      %dma_wait3A_97 = tpu.memref_slice %arg8[%dma_wait3A_95, %dma_wait3A_96] : memref<128x128xf32, #tpu.memory_space<vmem>> -> memref<64x128xf32, #tpu.memory_space<vmem>>
      %dma_wait3A_98 = arith.constant 0 : i32
      %dma_wait3A_99 = tpu.memref_slice %arg24[%add3A_61, %dma_wait3A_98] : memref<5120x128xf32, #tpu.memory_space<vmem_shared>> -> memref<64x128xf32, #tpu.memory_space<vmem_shared>>
      tpu.wait_dma2 semaphore(%run_scoped3A : memref<!tpu.dma_semaphore, #tpu.memory_space<semaphore_mem>>) src(%dma_wait3A_99 : memref<64x128xf32, #tpu.memory_space<vmem_shared>>) dst(%dma_wait3A_97 : memref<64x128xf32, #tpu.memory_space<vmem>>)
      tpu.yield
    }) : () -> ()
    %add3A_62 = arith.constant 0 : i32
    %add3A_63 = arith.addi %mul3A_18, %add3A_62 : i32
    "tpu.region"() ({
      %run_scoped3A = tpu.sem_alloc : memref<!tpu.dma_semaphore, #tpu.memory_space<semaphore_mem>>
      %dma_start3A_80 = arith.constant 0 : i32
      %dma_start3A_81 = arith.constant 0 : i32
      %dma_start3A_82 = tpu.memref_slice %arg8[%dma_start3A_80, %dma_start3A_81] : memref<128x128xf32, #tpu.memory_space<vmem>> -> memref<64x128xf32, #tpu.memory_space<vmem>>
      %dma_start3A_83 = arith.constant 0 : i32
      %dma_start3A_84 = arith.constant 0 : i32
      %dma_start3A_85 = tpu.memref_slice %arg5[%arg0, %dma_start3A_83, %dma_start3A_84] : memref<2x5120x128xf32, #tpu.memory_space<hbm>> -> memref<1x5120x128xf32, #tpu.memory_space<hbm>>
      %dma_start3A_86 = tpu.memref_squeeze %dma_start3A_85 : memref<1x5120x128xf32, #tpu.memory_space<hbm>> -> memref<5120x128xf32, #tpu.memory_space<hbm>>
      %dma_start3A_87 = arith.constant 0 : i32
      %dma_start3A_88 = tpu.memref_slice %dma_start3A_86[%add3A_63, %dma_start3A_87] : memref<5120x128xf32, #tpu.memory_space<hbm>> -> memref<64x128xf32, #tpu.memory_space<hbm>>
      %dma_start3A_89 = arith.constant 0 : i32
      %dma_start3A_90 = arith.constant 0 : i32
      %dma_start3A_91 = tpu.memref_slice %arg5[%arg0, %dma_start3A_89, %dma_start3A_90] : memref<2x5120x128xf32, #tpu.memory_space<hbm>> -> memref<1x5120x128xf32, #tpu.memory_space<hbm>>
      %dma_start3A_92 = tpu.memref_squeeze %dma_start3A_91 : memref<1x5120x128xf32, #tpu.memory_space<hbm>> -> memref<5120x128xf32, #tpu.memory_space<hbm>>
      %dma_start3A_93 = arith.constant 0 : i32
      %dma_start3A_94 = tpu.memref_slice %dma_start3A_92[%add3A_63, %dma_start3A_93] : memref<5120x128xf32, #tpu.memory_space<hbm>> -> memref<64x128xf32, #tpu.memory_space<hbm>>
      %dma_start3A_95 = arith.constant 0 : i32
      %dma_start3A_96 = arith.constant 0 : i32
      %dma_start3A_97 = tpu.memref_slice %arg8[%dma_start3A_95, %dma_start3A_96] : memref<128x128xf32, #tpu.memory_space<vmem>> -> memref<64x128xf32, #tpu.memory_space<vmem>>
      tpu.enqueue_dma source(%dma_start3A_97 : memref<64x128xf32, #tpu.memory_space<vmem>>) target(%dma_start3A_94 : memref<64x128xf32, #tpu.memory_space<hbm>>) target_semaphore(%run_scoped3A : memref<!tpu.dma_semaphore, #tpu.memory_space<semaphore_mem>>)
      %dma_wait3A_98 = arith.constant 0 : i32
      %dma_wait3A_99 = arith.constant 0 : i32
      %dma_wait3A_100 = tpu.memref_slice %arg8[%dma_wait3A_98, %dma_wait3A_99] : memref<128x128xf32, #tpu.memory_space<vmem>> -> memref<64x128xf32, #tpu.memory_space<vmem>>
      %dma_wait3A_101 = arith.constant 0 : i32
      %dma_wait3A_102 = arith.constant 0 : i32
      %dma_wait3A_103 = tpu.memref_slice %arg5[%arg0, %dma_wait3A_101, %dma_wait3A_102] : memref<2x5120x128xf32, #tpu.memory_space<hbm>> -> memref<1x5120x128xf32, #tpu.memory_space<hbm>>
      %dma_wait3A_104 = tpu.memref_squeeze %dma_wait3A_103 : memref<1x5120x128xf32, #tpu.memory_space<hbm>> -> memref<5120x128xf32, #tpu.memory_space<hbm>>
      %dma_wait3A_105 = arith.constant 0 : i32
      %dma_wait3A_106 = tpu.memref_slice %dma_wait3A_104[%add3A_63, %dma_wait3A_105] : memref<5120x128xf32, #tpu.memory_space<hbm>> -> memref<64x128xf32, #tpu.memory_space<hbm>>
      %dma_wait3A_107 = arith.constant 0 : i32
      %dma_wait3A_108 = arith.constant 0 : i32
      %dma_wait3A_109 = tpu.memref_slice %arg5[%arg0, %dma_wait3A_107, %dma_wait3A_108] : memref<2x5120x128xf32, #tpu.memory_space<hbm>> -> memref<1x5120x128xf32, #tpu.memory_space<hbm>>
      %dma_wait3A_110 = tpu.memref_squeeze %dma_wait3A_109 : memref<1x5120x128xf32, #tpu.memory_space<hbm>> -> memref<5120x128xf32, #tpu.memory_space<hbm>>
      %dma_wait3A_111 = arith.constant 0 : i32
      %dma_wait3A_112 = tpu.memref_slice %dma_wait3A_110[%add3A_63, %dma_wait3A_111] : memref<5120x128xf32, #tpu.memory_space<hbm>> -> memref<64x128xf32, #tpu.memory_space<hbm>>
      %dma_wait3A_113 = arith.constant 0 : i32
      %dma_wait3A_114 = arith.constant 0 : i32
      %dma_wait3A_115 = tpu.memref_slice %arg8[%dma_wait3A_113, %dma_wait3A_114] : memref<128x128xf32, #tpu.memory_space<vmem>> -> memref<64x128xf32, #tpu.memory_space<vmem>>
      tpu.wait_dma2 semaphore(%run_scoped3A : memref<!tpu.dma_semaphore, #tpu.memory_space<semaphore_mem>>) src(%dma_wait3A_115 : memref<64x128xf32, #tpu.memory_space<vmem>>) dst(%dma_wait3A_112 : memref<64x128xf32, #tpu.memory_space<hbm>>)
      tpu.yield
    }) : () -> ()
    %add3A_64 = arith.constant 64 : i32
    %add3A_65 = arith.addi %mul3A_18, %add3A_64 : i32
    "tpu.region"() ({
      %run_scoped3A = tpu.sem_alloc : memref<!tpu.dma_semaphore, #tpu.memory_space<semaphore_mem>>
      %dma_start3A_80 = arith.constant 0 : i32
      %dma_start3A_81 = arith.constant 0 : i32
      %dma_start3A_82 = tpu.memref_slice %arg8[%dma_start3A_80, %dma_start3A_81] : memref<128x128xf32, #tpu.memory_space<vmem>> -> memref<64x128xf32, #tpu.memory_space<vmem>>
      %dma_start3A_83 = arith.constant 0 : i32
      %dma_start3A_84 = tpu.memref_slice %arg24[%add3A_65, %dma_start3A_83] : memref<5120x128xf32, #tpu.memory_space<vmem_shared>> -> memref<64x128xf32, #tpu.memory_space<vmem_shared>>
      %dma_start3A_85 = arith.constant 0 : i32
      %dma_start3A_86 = arith.constant 0 : i32
      %dma_start3A_87 = tpu.memref_slice %arg8[%dma_start3A_85, %dma_start3A_86] : memref<128x128xf32, #tpu.memory_space<vmem>> -> memref<64x128xf32, #tpu.memory_space<vmem>>
      %dma_start3A_88 = arith.constant 0 : i32
      %dma_start3A_89 = tpu.memref_slice %arg24[%add3A_65, %dma_start3A_88] : memref<5120x128xf32, #tpu.memory_space<vmem_shared>> -> memref<64x128xf32, #tpu.memory_space<vmem_shared>>
      tpu.enqueue_dma source(%dma_start3A_89 : memref<64x128xf32, #tpu.memory_space<vmem_shared>>) target(%dma_start3A_87 : memref<64x128xf32, #tpu.memory_space<vmem>>) target_semaphore(%run_scoped3A : memref<!tpu.dma_semaphore, #tpu.memory_space<semaphore_mem>>)
      %dma_wait3A_90 = arith.constant 0 : i32
      %dma_wait3A_91 = arith.constant 0 : i32
      %dma_wait3A_92 = tpu.memref_slice %arg8[%dma_wait3A_90, %dma_wait3A_91] : memref<128x128xf32, #tpu.memory_space<vmem>> -> memref<64x128xf32, #tpu.memory_space<vmem>>
      %dma_wait3A_93 = arith.constant 0 : i32
      %dma_wait3A_94 = tpu.memref_slice %arg24[%add3A_65, %dma_wait3A_93] : memref<5120x128xf32, #tpu.memory_space<vmem_shared>> -> memref<64x128xf32, #tpu.memory_space<vmem_shared>>
      %dma_wait3A_95 = arith.constant 0 : i32
      %dma_wait3A_96 = arith.constant 0 : i32
      %dma_wait3A_97 = tpu.memref_slice %arg8[%dma_wait3A_95, %dma_wait3A_96] : memref<128x128xf32, #tpu.memory_space<vmem>> -> memref<64x128xf32, #tpu.memory_space<vmem>>
      %dma_wait3A_98 = arith.constant 0 : i32
      %dma_wait3A_99 = tpu.memref_slice %arg24[%add3A_65, %dma_wait3A_98] : memref<5120x128xf32, #tpu.memory_space<vmem_shared>> -> memref<64x128xf32, #tpu.memory_space<vmem_shared>>
      tpu.wait_dma2 semaphore(%run_scoped3A : memref<!tpu.dma_semaphore, #tpu.memory_space<semaphore_mem>>) src(%dma_wait3A_99 : memref<64x128xf32, #tpu.memory_space<vmem_shared>>) dst(%dma_wait3A_97 : memref<64x128xf32, #tpu.memory_space<vmem>>)
      tpu.yield
    }) : () -> ()
    %add3A_66 = arith.constant 64 : i32
    %add3A_67 = arith.addi %mul3A_18, %add3A_66 : i32
    "tpu.region"() ({
      %run_scoped3A = tpu.sem_alloc : memref<!tpu.dma_semaphore, #tpu.memory_space<semaphore_mem>>
      %dma_start3A_80 = arith.constant 0 : i32
      %dma_start3A_81 = arith.constant 0 : i32
      %dma_start3A_82 = tpu.memref_slice %arg8[%dma_start3A_80, %dma_start3A_81] : memref<128x128xf32, #tpu.memory_space<vmem>> -> memref<64x128xf32, #tpu.memory_space<vmem>>
      %dma_start3A_83 = arith.constant 0 : i32
      %dma_start3A_84 = arith.constant 0 : i32
      %dma_start3A_85 = tpu.memref_slice %arg5[%arg0, %dma_start3A_83, %dma_start3A_84] : memref<2x5120x128xf32, #tpu.memory_space<hbm>> -> memref<1x5120x128xf32, #tpu.memory_space<hbm>>
      %dma_start3A_86 = tpu.memref_squeeze %dma_start3A_85 : memref<1x5120x128xf32, #tpu.memory_space<hbm>> -> memref<5120x128xf32, #tpu.memory_space<hbm>>
      %dma_start3A_87 = arith.constant 0 : i32
      %dma_start3A_88 = tpu.memref_slice %dma_start3A_86[%add3A_67, %dma_start3A_87] : memref<5120x128xf32, #tpu.memory_space<hbm>> -> memref<64x128xf32, #tpu.memory_space<hbm>>
      %dma_start3A_89 = arith.constant 0 : i32
      %dma_start3A_90 = arith.constant 0 : i32
      %dma_start3A_91 = tpu.memref_slice %arg5[%arg0, %dma_start3A_89, %dma_start3A_90] : memref<2x5120x128xf32, #tpu.memory_space<hbm>> -> memref<1x5120x128xf32, #tpu.memory_space<hbm>>
      %dma_start3A_92 = tpu.memref_squeeze %dma_start3A_91 : memref<1x5120x128xf32, #tpu.memory_space<hbm>> -> memref<5120x128xf32, #tpu.memory_space<hbm>>
      %dma_start3A_93 = arith.constant 0 : i32
      %dma_start3A_94 = tpu.memref_slice %dma_start3A_92[%add3A_67, %dma_start3A_93] : memref<5120x128xf32, #tpu.memory_space<hbm>> -> memref<64x128xf32, #tpu.memory_space<hbm>>
      %dma_start3A_95 = arith.constant 0 : i32
      %dma_start3A_96 = arith.constant 0 : i32
      %dma_start3A_97 = tpu.memref_slice %arg8[%dma_start3A_95, %dma_start3A_96] : memref<128x128xf32, #tpu.memory_space<vmem>> -> memref<64x128xf32, #tpu.memory_space<vmem>>
      tpu.enqueue_dma source(%dma_start3A_97 : memref<64x128xf32, #tpu.memory_space<vmem>>) target(%dma_start3A_94 : memref<64x128xf32, #tpu.memory_space<hbm>>) target_semaphore(%run_scoped3A : memref<!tpu.dma_semaphore, #tpu.memory_space<semaphore_mem>>)
      %dma_wait3A_98 = arith.constant 0 : i32
      %dma_wait3A_99 = arith.constant 0 : i32
      %dma_wait3A_100 = tpu.memref_slice %arg8[%dma_wait3A_98, %dma_wait3A_99] : memref<128x128xf32, #tpu.memory_space<vmem>> -> memref<64x128xf32, #tpu.memory_space<vmem>>
      %dma_wait3A_101 = arith.constant 0 : i32
      %dma_wait3A_102 = arith.constant 0 : i32
      %dma_wait3A_103 = tpu.memref_slice %arg5[%arg0, %dma_wait3A_101, %dma_wait3A_102] : memref<2x5120x128xf32, #tpu.memory_space<hbm>> -> memref<1x5120x128xf32, #tpu.memory_space<hbm>>
      %dma_wait3A_104 = tpu.memref_squeeze %dma_wait3A_103 : memref<1x5120x128xf32, #tpu.memory_space<hbm>> -> memref<5120x128xf32, #tpu.memory_space<hbm>>
      %dma_wait3A_105 = arith.constant 0 : i32
      %dma_wait3A_106 = tpu.memref_slice %dma_wait3A_104[%add3A_67, %dma_wait3A_105] : memref<5120x128xf32, #tpu.memory_space<hbm>> -> memref<64x128xf32, #tpu.memory_space<hbm>>
      %dma_wait3A_107 = arith.constant 0 : i32
      %dma_wait3A_108 = arith.constant 0 : i32
      %dma_wait3A_109 = tpu.memref_slice %arg5[%arg0, %dma_wait3A_107, %dma_wait3A_108] : memref<2x5120x128xf32, #tpu.memory_space<hbm>> -> memref<1x5120x128xf32, #tpu.memory_space<hbm>>
      %dma_wait3A_110 = tpu.memref_squeeze %dma_wait3A_109 : memref<1x5120x128xf32, #tpu.memory_space<hbm>> -> memref<5120x128xf32, #tpu.memory_space<hbm>>
      %dma_wait3A_111 = arith.constant 0 : i32
      %dma_wait3A_112 = tpu.memref_slice %dma_wait3A_110[%add3A_67, %dma_wait3A_111] : memref<5120x128xf32, #tpu.memory_space<hbm>> -> memref<64x128xf32, #tpu.memory_space<hbm>>
      %dma_wait3A_113 = arith.constant 0 : i32
      %dma_wait3A_114 = arith.constant 0 : i32
      %dma_wait3A_115 = tpu.memref_slice %arg8[%dma_wait3A_113, %dma_wait3A_114] : memref<128x128xf32, #tpu.memory_space<vmem>> -> memref<64x128xf32, #tpu.memory_space<vmem>>
      tpu.wait_dma2 semaphore(%run_scoped3A : memref<!tpu.dma_semaphore, #tpu.memory_space<semaphore_mem>>) src(%dma_wait3A_115 : memref<64x128xf32, #tpu.memory_space<vmem>>) dst(%dma_wait3A_112 : memref<64x128xf32, #tpu.memory_space<hbm>>)
      tpu.yield
    }) : () -> ()
    %add3A_68 = arith.constant 128 : i32
    %add3A_69 = arith.addi %mul3A_18, %add3A_68 : i32
    "tpu.region"() ({
      %run_scoped3A = tpu.sem_alloc : memref<!tpu.dma_semaphore, #tpu.memory_space<semaphore_mem>>
      %dma_start3A_80 = arith.constant 0 : i32
      %dma_start3A_81 = arith.constant 0 : i32
      %dma_start3A_82 = tpu.memref_slice %arg8[%dma_start3A_80, %dma_start3A_81] : memref<128x128xf32, #tpu.memory_space<vmem>> -> memref<64x128xf32, #tpu.memory_space<vmem>>
      %dma_start3A_83 = arith.constant 0 : i32
      %dma_start3A_84 = tpu.memref_slice %arg24[%add3A_69, %dma_start3A_83] : memref<5120x128xf32, #tpu.memory_space<vmem_shared>> -> memref<64x128xf32, #tpu.memory_space<vmem_shared>>
      %dma_start3A_85 = arith.constant 0 : i32
      %dma_start3A_86 = arith.constant 0 : i32
      %dma_start3A_87 = tpu.memref_slice %arg8[%dma_start3A_85, %dma_start3A_86] : memref<128x128xf32, #tpu.memory_space<vmem>> -> memref<64x128xf32, #tpu.memory_space<vmem>>
      %dma_start3A_88 = arith.constant 0 : i32
      %dma_start3A_89 = tpu.memref_slice %arg24[%add3A_69, %dma_start3A_88] : memref<5120x128xf32, #tpu.memory_space<vmem_shared>> -> memref<64x128xf32, #tpu.memory_space<vmem_shared>>
      tpu.enqueue_dma source(%dma_start3A_89 : memref<64x128xf32, #tpu.memory_space<vmem_shared>>) target(%dma_start3A_87 : memref<64x128xf32, #tpu.memory_space<vmem>>) target_semaphore(%run_scoped3A : memref<!tpu.dma_semaphore, #tpu.memory_space<semaphore_mem>>)
      %dma_wait3A_90 = arith.constant 0 : i32
      %dma_wait3A_91 = arith.constant 0 : i32
      %dma_wait3A_92 = tpu.memref_slice %arg8[%dma_wait3A_90, %dma_wait3A_91] : memref<128x128xf32, #tpu.memory_space<vmem>> -> memref<64x128xf32, #tpu.memory_space<vmem>>
      %dma_wait3A_93 = arith.constant 0 : i32
      %dma_wait3A_94 = tpu.memref_slice %arg24[%add3A_69, %dma_wait3A_93] : memref<5120x128xf32, #tpu.memory_space<vmem_shared>> -> memref<64x128xf32, #tpu.memory_space<vmem_shared>>
      %dma_wait3A_95 = arith.constant 0 : i32
      %dma_wait3A_96 = arith.constant 0 : i32
      %dma_wait3A_97 = tpu.memref_slice %arg8[%dma_wait3A_95, %dma_wait3A_96] : memref<128x128xf32, #tpu.memory_space<vmem>> -> memref<64x128xf32, #tpu.memory_space<vmem>>
      %dma_wait3A_98 = arith.constant 0 : i32
      %dma_wait3A_99 = tpu.memref_slice %arg24[%add3A_69, %dma_wait3A_98] : memref<5120x128xf32, #tpu.memory_space<vmem_shared>> -> memref<64x128xf32, #tpu.memory_space<vmem_shared>>
      tpu.wait_dma2 semaphore(%run_scoped3A : memref<!tpu.dma_semaphore, #tpu.memory_space<semaphore_mem>>) src(%dma_wait3A_99 : memref<64x128xf32, #tpu.memory_space<vmem_shared>>) dst(%dma_wait3A_97 : memref<64x128xf32, #tpu.memory_space<vmem>>)
      tpu.yield
    }) : () -> ()
    %add3A_70 = arith.constant 128 : i32
    %add3A_71 = arith.addi %mul3A_18, %add3A_70 : i32
    "tpu.region"() ({
      %run_scoped3A = tpu.sem_alloc : memref<!tpu.dma_semaphore, #tpu.memory_space<semaphore_mem>>
      %dma_start3A_80 = arith.constant 0 : i32
      %dma_start3A_81 = arith.constant 0 : i32
      %dma_start3A_82 = tpu.memref_slice %arg8[%dma_start3A_80, %dma_start3A_81] : memref<128x128xf32, #tpu.memory_space<vmem>> -> memref<64x128xf32, #tpu.memory_space<vmem>>
      %dma_start3A_83 = arith.constant 0 : i32
      %dma_start3A_84 = arith.constant 0 : i32
      %dma_start3A_85 = tpu.memref_slice %arg5[%arg0, %dma_start3A_83, %dma_start3A_84] : memref<2x5120x128xf32, #tpu.memory_space<hbm>> -> memref<1x5120x128xf32, #tpu.memory_space<hbm>>
      %dma_start3A_86 = tpu.memref_squeeze %dma_start3A_85 : memref<1x5120x128xf32, #tpu.memory_space<hbm>> -> memref<5120x128xf32, #tpu.memory_space<hbm>>
      %dma_start3A_87 = arith.constant 0 : i32
      %dma_start3A_88 = tpu.memref_slice %dma_start3A_86[%add3A_71, %dma_start3A_87] : memref<5120x128xf32, #tpu.memory_space<hbm>> -> memref<64x128xf32, #tpu.memory_space<hbm>>
      %dma_start3A_89 = arith.constant 0 : i32
      %dma_start3A_90 = arith.constant 0 : i32
      %dma_start3A_91 = tpu.memref_slice %arg5[%arg0, %dma_start3A_89, %dma_start3A_90] : memref<2x5120x128xf32, #tpu.memory_space<hbm>> -> memref<1x5120x128xf32, #tpu.memory_space<hbm>>
      %dma_start3A_92 = tpu.memref_squeeze %dma_start3A_91 : memref<1x5120x128xf32, #tpu.memory_space<hbm>> -> memref<5120x128xf32, #tpu.memory_space<hbm>>
      %dma_start3A_93 = arith.constant 0 : i32
      %dma_start3A_94 = tpu.memref_slice %dma_start3A_92[%add3A_71, %dma_start3A_93] : memref<5120x128xf32, #tpu.memory_space<hbm>> -> memref<64x128xf32, #tpu.memory_space<hbm>>
      %dma_start3A_95 = arith.constant 0 : i32
      %dma_start3A_96 = arith.constant 0 : i32
      %dma_start3A_97 = tpu.memref_slice %arg8[%dma_start3A_95, %dma_start3A_96] : memref<128x128xf32, #tpu.memory_space<vmem>> -> memref<64x128xf32, #tpu.memory_space<vmem>>
      tpu.enqueue_dma source(%dma_start3A_97 : memref<64x128xf32, #tpu.memory_space<vmem>>) target(%dma_start3A_94 : memref<64x128xf32, #tpu.memory_space<hbm>>) target_semaphore(%run_scoped3A : memref<!tpu.dma_semaphore, #tpu.memory_space<semaphore_mem>>)
      %dma_wait3A_98 = arith.constant 0 : i32
      %dma_wait3A_99 = arith.constant 0 : i32
      %dma_wait3A_100 = tpu.memref_slice %arg8[%dma_wait3A_98, %dma_wait3A_99] : memref<128x128xf32, #tpu.memory_space<vmem>> -> memref<64x128xf32, #tpu.memory_space<vmem>>
      %dma_wait3A_101 = arith.constant 0 : i32
      %dma_wait3A_102 = arith.constant 0 : i32
      %dma_wait3A_103 = tpu.memref_slice %arg5[%arg0, %dma_wait3A_101, %dma_wait3A_102] : memref<2x5120x128xf32, #tpu.memory_space<hbm>> -> memref<1x5120x128xf32, #tpu.memory_space<hbm>>
      %dma_wait3A_104 = tpu.memref_squeeze %dma_wait3A_103 : memref<1x5120x128xf32, #tpu.memory_space<hbm>> -> memref<5120x128xf32, #tpu.memory_space<hbm>>
      %dma_wait3A_105 = arith.constant 0 : i32
      %dma_wait3A_106 = tpu.memref_slice %dma_wait3A_104[%add3A_71, %dma_wait3A_105] : memref<5120x128xf32, #tpu.memory_space<hbm>> -> memref<64x128xf32, #tpu.memory_space<hbm>>
      %dma_wait3A_107 = arith.constant 0 : i32
      %dma_wait3A_108 = arith.constant 0 : i32
      %dma_wait3A_109 = tpu.memref_slice %arg5[%arg0, %dma_wait3A_107, %dma_wait3A_108] : memref<2x5120x128xf32, #tpu.memory_space<hbm>> -> memref<1x5120x128xf32, #tpu.memory_space<hbm>>
      %dma_wait3A_110 = tpu.memref_squeeze %dma_wait3A_109 : memref<1x5120x128xf32, #tpu.memory_space<hbm>> -> memref<5120x128xf32, #tpu.memory_space<hbm>>
      %dma_wait3A_111 = arith.constant 0 : i32
      %dma_wait3A_112 = tpu.memref_slice %dma_wait3A_110[%add3A_71, %dma_wait3A_111] : memref<5120x128xf32, #tpu.memory_space<hbm>> -> memref<64x128xf32, #tpu.memory_space<hbm>>
      %dma_wait3A_113 = arith.constant 0 : i32
      %dma_wait3A_114 = arith.constant 0 : i32
      %dma_wait3A_115 = tpu.memref_slice %arg8[%dma_wait3A_113, %dma_wait3A_114] : memref<128x128xf32, #tpu.memory_space<vmem>> -> memref<64x128xf32, #tpu.memory_space<vmem>>
      tpu.wait_dma2 semaphore(%run_scoped3A : memref<!tpu.dma_semaphore, #tpu.memory_space<semaphore_mem>>) src(%dma_wait3A_115 : memref<64x128xf32, #tpu.memory_space<vmem>>) dst(%dma_wait3A_112 : memref<64x128xf32, #tpu.memory_space<hbm>>)
      tpu.yield
    }) : () -> ()
    %add3A_72 = arith.constant 192 : i32
    %add3A_73 = arith.addi %mul3A_18, %add3A_72 : i32
    "tpu.region"() ({
      %run_scoped3A = tpu.sem_alloc : memref<!tpu.dma_semaphore, #tpu.memory_space<semaphore_mem>>
      %dma_start3A_80 = arith.constant 0 : i32
      %dma_start3A_81 = arith.constant 0 : i32
      %dma_start3A_82 = tpu.memref_slice %arg8[%dma_start3A_80, %dma_start3A_81] : memref<128x128xf32, #tpu.memory_space<vmem>> -> memref<64x128xf32, #tpu.memory_space<vmem>>
      %dma_start3A_83 = arith.constant 0 : i32
      %dma_start3A_84 = tpu.memref_slice %arg24[%add3A_73, %dma_start3A_83] : memref<5120x128xf32, #tpu.memory_space<vmem_shared>> -> memref<64x128xf32, #tpu.memory_space<vmem_shared>>
      %dma_start3A_85 = arith.constant 0 : i32
      %dma_start3A_86 = arith.constant 0 : i32
      %dma_start3A_87 = tpu.memref_slice %arg8[%dma_start3A_85, %dma_start3A_86] : memref<128x128xf32, #tpu.memory_space<vmem>> -> memref<64x128xf32, #tpu.memory_space<vmem>>
      %dma_start3A_88 = arith.constant 0 : i32
      %dma_start3A_89 = tpu.memref_slice %arg24[%add3A_73, %dma_start3A_88] : memref<5120x128xf32, #tpu.memory_space<vmem_shared>> -> memref<64x128xf32, #tpu.memory_space<vmem_shared>>
      tpu.enqueue_dma source(%dma_start3A_89 : memref<64x128xf32, #tpu.memory_space<vmem_shared>>) target(%dma_start3A_87 : memref<64x128xf32, #tpu.memory_space<vmem>>) target_semaphore(%run_scoped3A : memref<!tpu.dma_semaphore, #tpu.memory_space<semaphore_mem>>)
      %dma_wait3A_90 = arith.constant 0 : i32
      %dma_wait3A_91 = arith.constant 0 : i32
      %dma_wait3A_92 = tpu.memref_slice %arg8[%dma_wait3A_90, %dma_wait3A_91] : memref<128x128xf32, #tpu.memory_space<vmem>> -> memref<64x128xf32, #tpu.memory_space<vmem>>
      %dma_wait3A_93 = arith.constant 0 : i32
      %dma_wait3A_94 = tpu.memref_slice %arg24[%add3A_73, %dma_wait3A_93] : memref<5120x128xf32, #tpu.memory_space<vmem_shared>> -> memref<64x128xf32, #tpu.memory_space<vmem_shared>>
      %dma_wait3A_95 = arith.constant 0 : i32
      %dma_wait3A_96 = arith.constant 0 : i32
      %dma_wait3A_97 = tpu.memref_slice %arg8[%dma_wait3A_95, %dma_wait3A_96] : memref<128x128xf32, #tpu.memory_space<vmem>> -> memref<64x128xf32, #tpu.memory_space<vmem>>
      %dma_wait3A_98 = arith.constant 0 : i32
      %dma_wait3A_99 = tpu.memref_slice %arg24[%add3A_73, %dma_wait3A_98] : memref<5120x128xf32, #tpu.memory_space<vmem_shared>> -> memref<64x128xf32, #tpu.memory_space<vmem_shared>>
      tpu.wait_dma2 semaphore(%run_scoped3A : memref<!tpu.dma_semaphore, #tpu.memory_space<semaphore_mem>>) src(%dma_wait3A_99 : memref<64x128xf32, #tpu.memory_space<vmem_shared>>) dst(%dma_wait3A_97 : memref<64x128xf32, #tpu.memory_space<vmem>>)
      tpu.yield
    }) : () -> ()
    %add3A_74 = arith.constant 192 : i32
    %add3A_75 = arith.addi %mul3A_18, %add3A_74 : i32
    "tpu.region"() ({
      %run_scoped3A = tpu.sem_alloc : memref<!tpu.dma_semaphore, #tpu.memory_space<semaphore_mem>>
      %dma_start3A_80 = arith.constant 0 : i32
      %dma_start3A_81 = arith.constant 0 : i32
      %dma_start3A_82 = tpu.memref_slice %arg8[%dma_start3A_80, %dma_start3A_81] : memref<128x128xf32, #tpu.memory_space<vmem>> -> memref<64x128xf32, #tpu.memory_space<vmem>>
      %dma_start3A_83 = arith.constant 0 : i32
      %dma_start3A_84 = arith.constant 0 : i32
      %dma_start3A_85 = tpu.memref_slice %arg5[%arg0, %dma_start3A_83, %dma_start3A_84] : memref<2x5120x128xf32, #tpu.memory_space<hbm>> -> memref<1x5120x128xf32, #tpu.memory_space<hbm>>
      %dma_start3A_86 = tpu.memref_squeeze %dma_start3A_85 : memref<1x5120x128xf32, #tpu.memory_space<hbm>> -> memref<5120x128xf32, #tpu.memory_space<hbm>>
      %dma_start3A_87 = arith.constant 0 : i32
      %dma_start3A_88 = tpu.memref_slice %dma_start3A_86[%add3A_75, %dma_start3A_87] : memref<5120x128xf32, #tpu.memory_space<hbm>> -> memref<64x128xf32, #tpu.memory_space<hbm>>
      %dma_start3A_89 = arith.constant 0 : i32
      %dma_start3A_90 = arith.constant 0 : i32
      %dma_start3A_91 = tpu.memref_slice %arg5[%arg0, %dma_start3A_89, %dma_start3A_90] : memref<2x5120x128xf32, #tpu.memory_space<hbm>> -> memref<1x5120x128xf32, #tpu.memory_space<hbm>>
      %dma_start3A_92 = tpu.memref_squeeze %dma_start3A_91 : memref<1x5120x128xf32, #tpu.memory_space<hbm>> -> memref<5120x128xf32, #tpu.memory_space<hbm>>
      %dma_start3A_93 = arith.constant 0 : i32
      %dma_start3A_94 = tpu.memref_slice %dma_start3A_92[%add3A_75, %dma_start3A_93] : memref<5120x128xf32, #tpu.memory_space<hbm>> -> memref<64x128xf32, #tpu.memory_space<hbm>>
      %dma_start3A_95 = arith.constant 0 : i32
      %dma_start3A_96 = arith.constant 0 : i32
      %dma_start3A_97 = tpu.memref_slice %arg8[%dma_start3A_95, %dma_start3A_96] : memref<128x128xf32, #tpu.memory_space<vmem>> -> memref<64x128xf32, #tpu.memory_space<vmem>>
      tpu.enqueue_dma source(%dma_start3A_97 : memref<64x128xf32, #tpu.memory_space<vmem>>) target(%dma_start3A_94 : memref<64x128xf32, #tpu.memory_space<hbm>>) target_semaphore(%run_scoped3A : memref<!tpu.dma_semaphore, #tpu.memory_space<semaphore_mem>>)
      %dma_wait3A_98 = arith.constant 0 : i32
      %dma_wait3A_99 = arith.constant 0 : i32
      %dma_wait3A_100 = tpu.memref_slice %arg8[%dma_wait3A_98, %dma_wait3A_99] : memref<128x128xf32, #tpu.memory_space<vmem>> -> memref<64x128xf32, #tpu.memory_space<vmem>>
      %dma_wait3A_101 = arith.constant 0 : i32
      %dma_wait3A_102 = arith.constant 0 : i32
      %dma_wait3A_103 = tpu.memref_slice %arg5[%arg0, %dma_wait3A_101, %dma_wait3A_102] : memref<2x5120x128xf32, #tpu.memory_space<hbm>> -> memref<1x5120x128xf32, #tpu.memory_space<hbm>>
      %dma_wait3A_104 = tpu.memref_squeeze %dma_wait3A_103 : memref<1x5120x128xf32, #tpu.memory_space<hbm>> -> memref<5120x128xf32, #tpu.memory_space<hbm>>
      %dma_wait3A_105 = arith.constant 0 : i32
      %dma_wait3A_106 = tpu.memref_slice %dma_wait3A_104[%add3A_75, %dma_wait3A_105] : memref<5120x128xf32, #tpu.memory_space<hbm>> -> memref<64x128xf32, #tpu.memory_space<hbm>>
      %dma_wait3A_107 = arith.constant 0 : i32
      %dma_wait3A_108 = arith.constant 0 : i32
      %dma_wait3A_109 = tpu.memref_slice %arg5[%arg0, %dma_wait3A_107, %dma_wait3A_108] : memref<2x5120x128xf32, #tpu.memory_space<hbm>> -> memref<1x5120x128xf32, #tpu.memory_space<hbm>>
      %dma_wait3A_110 = tpu.memref_squeeze %dma_wait3A_109 : memref<1x5120x128xf32, #tpu.memory_space<hbm>> -> memref<5120x128xf32, #tpu.memory_space<hbm>>
      %dma_wait3A_111 = arith.constant 0 : i32
      %dma_wait3A_112 = tpu.memref_slice %dma_wait3A_110[%add3A_75, %dma_wait3A_111] : memref<5120x128xf32, #tpu.memory_space<hbm>> -> memref<64x128xf32, #tpu.memory_space<hbm>>
      %dma_wait3A_113 = arith.constant 0 : i32
      %dma_wait3A_114 = arith.constant 0 : i32
      %dma_wait3A_115 = tpu.memref_slice %arg8[%dma_wait3A_113, %dma_wait3A_114] : memref<128x128xf32, #tpu.memory_space<vmem>> -> memref<64x128xf32, #tpu.memory_space<vmem>>
      tpu.wait_dma2 semaphore(%run_scoped3A : memref<!tpu.dma_semaphore, #tpu.memory_space<semaphore_mem>>) src(%dma_wait3A_115 : memref<64x128xf32, #tpu.memory_space<vmem>>) dst(%dma_wait3A_112 : memref<64x128xf32, #tpu.memory_space<hbm>>)
      tpu.yield
    }) : () -> ()
    %add3A_76 = arith.constant 256 : i32
    %add3A_77 = arith.addi %mul3A_18, %add3A_76 : i32
    "tpu.region"() ({
      %run_scoped3A = tpu.sem_alloc : memref<!tpu.dma_semaphore, #tpu.memory_space<semaphore_mem>>
      %dma_start3A_80 = arith.constant 0 : i32
      %dma_start3A_81 = arith.constant 0 : i32
      %dma_start3A_82 = tpu.memref_slice %arg8[%dma_start3A_80, %dma_start3A_81] : memref<128x128xf32, #tpu.memory_space<vmem>> -> memref<64x128xf32, #tpu.memory_space<vmem>>
      %dma_start3A_83 = arith.constant 0 : i32
      %dma_start3A_84 = tpu.memref_slice %arg24[%add3A_77, %dma_start3A_83] : memref<5120x128xf32, #tpu.memory_space<vmem_shared>> -> memref<64x128xf32, #tpu.memory_space<vmem_shared>>
      %dma_start3A_85 = arith.constant 0 : i32
      %dma_start3A_86 = arith.constant 0 : i32
      %dma_start3A_87 = tpu.memref_slice %arg8[%dma_start3A_85, %dma_start3A_86] : memref<128x128xf32, #tpu.memory_space<vmem>> -> memref<64x128xf32, #tpu.memory_space<vmem>>
      %dma_start3A_88 = arith.constant 0 : i32
      %dma_start3A_89 = tpu.memref_slice %arg24[%add3A_77, %dma_start3A_88] : memref<5120x128xf32, #tpu.memory_space<vmem_shared>> -> memref<64x128xf32, #tpu.memory_space<vmem_shared>>
      tpu.enqueue_dma source(%dma_start3A_89 : memref<64x128xf32, #tpu.memory_space<vmem_shared>>) target(%dma_start3A_87 : memref<64x128xf32, #tpu.memory_space<vmem>>) target_semaphore(%run_scoped3A : memref<!tpu.dma_semaphore, #tpu.memory_space<semaphore_mem>>)
      %dma_wait3A_90 = arith.constant 0 : i32
      %dma_wait3A_91 = arith.constant 0 : i32
      %dma_wait3A_92 = tpu.memref_slice %arg8[%dma_wait3A_90, %dma_wait3A_91] : memref<128x128xf32, #tpu.memory_space<vmem>> -> memref<64x128xf32, #tpu.memory_space<vmem>>
      %dma_wait3A_93 = arith.constant 0 : i32
      %dma_wait3A_94 = tpu.memref_slice %arg24[%add3A_77, %dma_wait3A_93] : memref<5120x128xf32, #tpu.memory_space<vmem_shared>> -> memref<64x128xf32, #tpu.memory_space<vmem_shared>>
      %dma_wait3A_95 = arith.constant 0 : i32
      %dma_wait3A_96 = arith.constant 0 : i32
      %dma_wait3A_97 = tpu.memref_slice %arg8[%dma_wait3A_95, %dma_wait3A_96] : memref<128x128xf32, #tpu.memory_space<vmem>> -> memref<64x128xf32, #tpu.memory_space<vmem>>
      %dma_wait3A_98 = arith.constant 0 : i32
      %dma_wait3A_99 = tpu.memref_slice %arg24[%add3A_77, %dma_wait3A_98] : memref<5120x128xf32, #tpu.memory_space<vmem_shared>> -> memref<64x128xf32, #tpu.memory_space<vmem_shared>>
      tpu.wait_dma2 semaphore(%run_scoped3A : memref<!tpu.dma_semaphore, #tpu.memory_space<semaphore_mem>>) src(%dma_wait3A_99 : memref<64x128xf32, #tpu.memory_space<vmem_shared>>) dst(%dma_wait3A_97 : memref<64x128xf32, #tpu.memory_space<vmem>>)
      tpu.yield
    }) : () -> ()
    %add3A_78 = arith.constant 256 : i32
    %add3A_79 = arith.addi %mul3A_18, %add3A_78 : i32
    "tpu.region"() ({
      %run_scoped3A = tpu.sem_alloc : memref<!tpu.dma_semaphore, #tpu.memory_space<semaphore_mem>>
      %dma_start3A_80 = arith.constant 0 : i32
      %dma_start3A_81 = arith.constant 0 : i32
      %dma_start3A_82 = tpu.memref_slice %arg8[%dma_start3A_80, %dma_start3A_81] : memref<128x128xf32, #tpu.memory_space<vmem>> -> memref<64x128xf32, #tpu.memory_space<vmem>>
      %dma_start3A_83 = arith.constant 0 : i32
      %dma_start3A_84 = arith.constant 0 : i32
      %dma_start3A_85 = tpu.memref_slice %arg5[%arg0, %dma_start3A_83, %dma_start3A_84] : memref<2x5120x128xf32, #tpu.memory_space<hbm>> -> memref<1x5120x128xf32, #tpu.memory_space<hbm>>
      %dma_start3A_86 = tpu.memref_squeeze %dma_start3A_85 : memref<1x5120x128xf32, #tpu.memory_space<hbm>> -> memref<5120x128xf32, #tpu.memory_space<hbm>>
      %dma_start3A_87 = arith.constant 0 : i32
      %dma_start3A_88 = tpu.memref_slice %dma_start3A_86[%add3A_79, %dma_start3A_87] : memref<5120x128xf32, #tpu.memory_space<hbm>> -> memref<64x128xf32, #tpu.memory_space<hbm>>
      %dma_start3A_89 = arith.constant 0 : i32
      %dma_start3A_90 = arith.constant 0 : i32
      %dma_start3A_91 = tpu.memref_slice %arg5[%arg0, %dma_start3A_89, %dma_start3A_90] : memref<2x5120x128xf32, #tpu.memory_space<hbm>> -> memref<1x5120x128xf32, #tpu.memory_space<hbm>>
      %dma_start3A_92 = tpu.memref_squeeze %dma_start3A_91 : memref<1x5120x128xf32, #tpu.memory_space<hbm>> -> memref<5120x128xf32, #tpu.memory_space<hbm>>
      %dma_start3A_93 = arith.constant 0 : i32
      %dma_start3A_94 = tpu.memref_slice %dma_start3A_92[%add3A_79, %dma_start3A_93] : memref<5120x128xf32, #tpu.memory_space<hbm>> -> memref<64x128xf32, #tpu.memory_space<hbm>>
      %dma_start3A_95 = arith.constant 0 : i32
      %dma_start3A_96 = arith.constant 0 : i32
      %dma_start3A_97 = tpu.memref_slice %arg8[%dma_start3A_95, %dma_start3A_96] : memref<128x128xf32, #tpu.memory_space<vmem>> -> memref<64x128xf32, #tpu.memory_space<vmem>>
      tpu.enqueue_dma source(%dma_start3A_97 : memref<64x128xf32, #tpu.memory_space<vmem>>) target(%dma_start3A_94 : memref<64x128xf32, #tpu.memory_space<hbm>>) target_semaphore(%run_scoped3A : memref<!tpu.dma_semaphore, #tpu.memory_space<semaphore_mem>>)
      %dma_wait3A_98 = arith.constant 0 : i32
      %dma_wait3A_99 = arith.constant 0 : i32
      %dma_wait3A_100 = tpu.memref_slice %arg8[%dma_wait3A_98, %dma_wait3A_99] : memref<128x128xf32, #tpu.memory_space<vmem>> -> memref<64x128xf32, #tpu.memory_space<vmem>>
      %dma_wait3A_101 = arith.constant 0 : i32
      %dma_wait3A_102 = arith.constant 0 : i32
      %dma_wait3A_103 = tpu.memref_slice %arg5[%arg0, %dma_wait3A_101, %dma_wait3A_102] : memref<2x5120x128xf32, #tpu.memory_space<hbm>> -> memref<1x5120x128xf32, #tpu.memory_space<hbm>>
      %dma_wait3A_104 = tpu.memref_squeeze %dma_wait3A_103 : memref<1x5120x128xf32, #tpu.memory_space<hbm>> -> memref<5120x128xf32, #tpu.memory_space<hbm>>
      %dma_wait3A_105 = arith.constant 0 : i32
      %dma_wait3A_106 = tpu.memref_slice %dma_wait3A_104[%add3A_79, %dma_wait3A_105] : memref<5120x128xf32, #tpu.memory_space<hbm>> -> memref<64x128xf32, #tpu.memory_space<hbm>>
      %dma_wait3A_107 = arith.constant 0 : i32
      %dma_wait3A_108 = arith.constant 0 : i32
      %dma_wait3A_109 = tpu.memref_slice %arg5[%arg0, %dma_wait3A_107, %dma_wait3A_108] : memref<2x5120x128xf32, #tpu.memory_space<hbm>> -> memref<1x5120x128xf32, #tpu.memory_space<hbm>>
      %dma_wait3A_110 = tpu.memref_squeeze %dma_wait3A_109 : memref<1x5120x128xf32, #tpu.memory_space<hbm>> -> memref<5120x128xf32, #tpu.memory_space<hbm>>
      %dma_wait3A_111 = arith.constant 0 : i32
      %dma_wait3A_112 = tpu.memref_slice %dma_wait3A_110[%add3A_79, %dma_wait3A_111] : memref<5120x128xf32, #tpu.memory_space<hbm>> -> memref<64x128xf32, #tpu.memory_space<hbm>>
      %dma_wait3A_113 = arith.constant 0 : i32
      %dma_wait3A_114 = arith.constant 0 : i32
      %dma_wait3A_115 = tpu.memref_slice %arg8[%dma_wait3A_113, %dma_wait3A_114] : memref<128x128xf32, #tpu.memory_space<vmem>> -> memref<64x128xf32, #tpu.memory_space<vmem>>
      tpu.wait_dma2 semaphore(%run_scoped3A : memref<!tpu.dma_semaphore, #tpu.memory_space<semaphore_mem>>) src(%dma_wait3A_115 : memref<64x128xf32, #tpu.memory_space<vmem>>) dst(%dma_wait3A_112 : memref<64x128xf32, #tpu.memory_space<hbm>>)
      tpu.yield
    }) : () -> ()
    "tpu.region"() ({
      %run_scoped3A = tpu.sem_alloc : memref<!tpu.dma_semaphore, #tpu.memory_space<semaphore_mem>>
      %dma_start3A_80 = arith.constant 0 : i32
      %dma_start3A_81 = tpu.memref_slice %arg6[%arg0, %arg1, %dma_start3A_80] : memref<2x16x5120xf32, #tpu.memory_space<hbm>> -> memref<1x1x5120xf32, #tpu.memory_space<hbm>>
      %dma_start3A_82 = tpu.memref_squeeze %dma_start3A_81 : memref<1x1x5120xf32, #tpu.memory_space<hbm>> -> memref<5120xf32, #tpu.memory_space<hbm>>
      %dma_start3A_83 = arith.constant 0 : i32
      %dma_start3A_84 = tpu.memref_slice %arg6[%arg0, %arg1, %dma_start3A_83] : memref<2x16x5120xf32, #tpu.memory_space<hbm>> -> memref<1x1x5120xf32, #tpu.memory_space<hbm>>
      %dma_start3A_85 = tpu.memref_squeeze %dma_start3A_84 : memref<1x1x5120xf32, #tpu.memory_space<hbm>> -> memref<5120xf32, #tpu.memory_space<hbm>>
      tpu.enqueue_dma source(%arg16 : memref<5120xf32, #tpu.memory_space<vmem>>) target(%dma_start3A_85 : memref<5120xf32, #tpu.memory_space<hbm>>) target_semaphore(%run_scoped3A : memref<!tpu.dma_semaphore, #tpu.memory_space<semaphore_mem>>)
      %dma_wait3A_86 = arith.constant 0 : i32
      %dma_wait3A_87 = tpu.memref_slice %arg6[%arg0, %arg1, %dma_wait3A_86] : memref<2x16x5120xf32, #tpu.memory_space<hbm>> -> memref<1x1x5120xf32, #tpu.memory_space<hbm>>
      %dma_wait3A_88 = tpu.memref_squeeze %dma_wait3A_87 : memref<1x1x5120xf32, #tpu.memory_space<hbm>> -> memref<5120xf32, #tpu.memory_space<hbm>>
      %dma_wait3A_89 = arith.constant 0 : i32
      %dma_wait3A_90 = tpu.memref_slice %arg6[%arg0, %arg1, %dma_wait3A_89] : memref<2x16x5120xf32, #tpu.memory_space<hbm>> -> memref<1x1x5120xf32, #tpu.memory_space<hbm>>
      %dma_wait3A_91 = tpu.memref_squeeze %dma_wait3A_90 : memref<1x1x5120xf32, #tpu.memory_space<hbm>> -> memref<5120xf32, #tpu.memory_space<hbm>>
      tpu.wait_dma2 semaphore(%run_scoped3A : memref<!tpu.dma_semaphore, #tpu.memory_space<semaphore_mem>>) src(%arg16 : memref<5120xf32, #tpu.memory_space<vmem>>) dst(%dma_wait3A_91 : memref<5120xf32, #tpu.memory_space<hbm>>)
      tpu.yield
    }) : () -> ()
    "tpu.region"() ({
      %run_scoped3A = tpu.sem_alloc : memref<!tpu.dma_semaphore, #tpu.memory_space<semaphore_mem>>
      %dma_start3A_80 = arith.constant 0 : i32
      %dma_start3A_81 = tpu.memref_slice %arg7[%arg0, %arg1, %dma_start3A_80] : memref<2x16x5120xf32, #tpu.memory_space<hbm>> -> memref<1x1x5120xf32, #tpu.memory_space<hbm>>
      %dma_start3A_82 = tpu.memref_squeeze %dma_start3A_81 : memref<1x1x5120xf32, #tpu.memory_space<hbm>> -> memref<5120xf32, #tpu.memory_space<hbm>>
      %dma_start3A_83 = arith.constant 0 : i32
      %dma_start3A_84 = tpu.memref_slice %arg7[%arg0, %arg1, %dma_start3A_83] : memref<2x16x5120xf32, #tpu.memory_space<hbm>> -> memref<1x1x5120xf32, #tpu.memory_space<hbm>>
      %dma_start3A_85 = tpu.memref_squeeze %dma_start3A_84 : memref<1x1x5120xf32, #tpu.memory_space<hbm>> -> memref<5120xf32, #tpu.memory_space<hbm>>
      tpu.enqueue_dma source(%arg17 : memref<5120xf32, #tpu.memory_space<vmem>>) target(%dma_start3A_85 : memref<5120xf32, #tpu.memory_space<hbm>>) target_semaphore(%run_scoped3A : memref<!tpu.dma_semaphore, #tpu.memory_space<semaphore_mem>>)
      %dma_wait3A_86 = arith.constant 0 : i32
      %dma_wait3A_87 = tpu.memref_slice %arg7[%arg0, %arg1, %dma_wait3A_86] : memref<2x16x5120xf32, #tpu.memory_space<hbm>> -> memref<1x1x5120xf32, #tpu.memory_space<hbm>>
      %dma_wait3A_88 = tpu.memref_squeeze %dma_wait3A_87 : memref<1x1x5120xf32, #tpu.memory_space<hbm>> -> memref<5120xf32, #tpu.memory_space<hbm>>
      %dma_wait3A_89 = arith.constant 0 : i32
      %dma_wait3A_90 = tpu.memref_slice %arg7[%arg0, %arg1, %dma_wait3A_89] : memref<2x16x5120xf32, #tpu.memory_space<hbm>> -> memref<1x1x5120xf32, #tpu.memory_space<hbm>>
      %dma_wait3A_91 = tpu.memref_squeeze %dma_wait3A_90 : memref<1x1x5120xf32, #tpu.memory_space<hbm>> -> memref<5120xf32, #tpu.memory_space<hbm>>
      tpu.wait_dma2 semaphore(%run_scoped3A : memref<!tpu.dma_semaphore, #tpu.memory_space<semaphore_mem>>) src(%arg17 : memref<5120xf32, #tpu.memory_space<vmem>>) dst(%dma_wait3A_91 : memref<5120xf32, #tpu.memory_space<hbm>>)
      tpu.yield
    }) : () -> ()
    return
  }
}

module attributes {stable_mosaic.version = 14 : i64} {
  func.func @_scores_body(%arg0: i32, %arg1: memref<6400x128xf32, #tpu.memory_space<vmem>>, %arg2: memref<128x64xf32, #tpu.memory_space<vmem>>, %arg3: memref<1x64xf32, #tpu.memory_space<vmem>>, %arg4: memref<1x64xf32, #tpu.memory_space<vmem>>, %arg5: memref<1x1xf32, #tpu.memory_space<vmem>>, %arg6: memref<6400x16xf32, #tpu.memory_space<vmem>>) attributes {dimension_semantics = [#tpu.dimension_semantics<arbitrary>], iteration_bounds = array<i64: 50>, scalar_prefetch = 0 : i64, scratch_operands = 0 : i64, tpu.core_type = #tpu.core_type<tc>, window_params = [{transform_indices = @transform_0, window_bounds = array<i64: 6400, 128>}, {pipeline_mode = #tpu.pipeline_mode<synchronous>, transform_indices = @transform_1, window_bounds = array<i64: 128, 64>}, {pipeline_mode = #tpu.pipeline_mode<synchronous>, transform_indices = @transform_2, window_bounds = array<i64: 1, 64>}, {pipeline_mode = #tpu.pipeline_mode<synchronous>, transform_indices = @transform_3, window_bounds = array<i64: 1, 64>}, {pipeline_mode = #tpu.pipeline_mode<synchronous>, transform_indices = @transform_4, window_bounds = array<i64: 1, 1>}, {transform_indices = @transform_5, window_bounds = array<i64: 6400, 16>}]} {
    %get3A = arith.constant 0 : index
    %get3A_0 = arith.constant 0 : index
    %get3A_1 = vector.load %arg1[%get3A, %get3A_0] : memref<6400x128xf32, #tpu.memory_space<vmem>>, vector<6400x128xf32>
    %get3A_2 = arith.constant 0 : index
    %get3A_3 = arith.constant 0 : index
    %get3A_4 = vector.load %arg2[%get3A_2, %get3A_3] : memref<128x64xf32, #tpu.memory_space<vmem>>, vector<128x64xf32>
    %dot_general3A = arith.constant dense<0.000000e+00> : vector<6400x64xf32>
    %dot_general3A_5 = tpu.matmul %get3A_1, %get3A_4, %dot_general3A {dimension_numbers = #tpu.dot_dimension_numbers<[1], [0], [0], [1], [0, 0, 1, 1], [], []>, transpose_lhs_hint = false} : vector<6400x128xf32>, vector<128x64xf32>, vector<6400x64xf32> -> vector<6400x64xf32>
    %get3A_6 = arith.constant 0 : index
    %get3A_7 = arith.constant 0 : index
    %get3A_8 = vector.load %arg3[%get3A_6, %get3A_7] : memref<1x64xf32, #tpu.memory_space<vmem>>, vector<1x64xf32>
    %add3A = vector.broadcast %get3A_8 : vector<1x64xf32> to vector<6400x64xf32>
    %add3A_9 = arith.addf %dot_general3A_5, %add3A : vector<6400x64xf32>
    %tanh3A = math.tanh %add3A_9 : vector<6400x64xf32>
    %get3A_10 = arith.constant 0 : index
    %get3A_11 = arith.constant 0 : index
    %get3A_12 = vector.load %arg4[%get3A_10, %get3A_11] : memref<1x64xf32, #tpu.memory_space<vmem>>, vector<1x64xf32>
    %mul3A = vector.broadcast %get3A_12 : vector<1x64xf32> to vector<6400x64xf32>
    %mul3A_13 = arith.mulf %tanh3A, %mul3A : vector<6400x64xf32>
    %reduce_sum3A = arith.constant dense<0.000000e+00> : vector<6400xf32>
    %reduce_sum3A_14 = vector.multi_reduction <add>, %mul3A_13, %reduce_sum3A [1] : vector<6400x64xf32> to vector<6400xf32>
    %broadcast_in_dim3A = vector.shape_cast %reduce_sum3A_14 : vector<6400xf32> to vector<6400x1xf32>
    %get3A_15 = arith.constant 0 : index
    %get3A_16 = arith.constant 0 : index
    %get3A_17 = vector.load %arg5[%get3A_15, %get3A_16] : memref<1x1xf32, #tpu.memory_space<vmem>>, vector<1x1xf32>
    %add3A_18 = vector.broadcast %get3A_17 : vector<1x1xf32> to vector<6400x1xf32>
    %add3A_19 = arith.addf %broadcast_in_dim3A, %add3A_18 : vector<6400x1xf32>
    %exp3A = math.exp %add3A_19 : vector<6400x1xf32>
    %broadcast_in_dim3A_20 = vector.shape_cast %exp3A : vector<6400x1xf32> to vector<6400x1xf32>
    %broadcast_in_dim3A_21 = vector.broadcast %broadcast_in_dim3A_20 : vector<6400x1xf32> to vector<6400x16xf32>
    %swap3A = arith.constant 0 : index
    %swap3A_22 = arith.constant 0 : index
    %swap3A_23 = vector.load %arg6[%swap3A, %swap3A_22] : memref<6400x16xf32, #tpu.memory_space<vmem>>, vector<6400x16xf32>
    tpu.vector_store %arg6[%swap3A, %swap3A_22], %broadcast_in_dim3A_21 {strides = array<i32>} : memref<6400x16xf32, #tpu.memory_space<vmem>>, vector<6400x16xf32>,
    return
  }
  func.func @transform_0(%arg0: i32) -> (i32, i32) {
    %c0_i32 = arith.constant 0 : i32
    %c0_i32_0 = arith.constant 0 : i32
    return %arg0, %c0_i32 : i32, i32
  }
  func.func @transform_1(%arg0: i32) -> (i32, i32) {
    %c0_i32 = arith.constant 0 : i32
    %c0_i32_0 = arith.constant 0 : i32
    %c0_i32_1 = arith.constant 0 : i32
    return %c0_i32, %c0_i32_0 : i32, i32
  }
  func.func @transform_2(%arg0: i32) -> (i32, i32) {
    %c0_i32 = arith.constant 0 : i32
    %c0_i32_0 = arith.constant 0 : i32
    %c0_i32_1 = arith.constant 0 : i32
    return %c0_i32, %c0_i32_0 : i32, i32
  }
  func.func @transform_3(%arg0: i32) -> (i32, i32) {
    %c0_i32 = arith.constant 0 : i32
    %c0_i32_0 = arith.constant 0 : i32
    %c0_i32_1 = arith.constant 0 : i32
    return %c0_i32, %c0_i32_0 : i32, i32
  }
  func.func @transform_4(%arg0: i32) -> (i32, i32) {
    %c0_i32 = arith.constant 0 : i32
    %c0_i32_0 = arith.constant 0 : i32
    %c0_i32_1 = arith.constant 0 : i32
    return %c0_i32, %c0_i32_0 : i32, i32
  }
  func.func @transform_5(%arg0: i32) -> (i32, i32) {
    %c0_i32 = arith.constant 0 : i32
    %c0_i32_0 = arith.constant 0 : i32
    return %arg0, %c0_i32 : i32, i32
  }
}

module attributes {stable_mosaic.version = 14 : i64} {
  func.func @_fin_body(%arg0: i32, %arg1: memref<1x5120x128xf32, #tpu.memory_space<vmem>>, %arg2: memref<1x16x5120xf32, #tpu.memory_space<vmem>>, %arg3: memref<1x16x5120xf32, #tpu.memory_space<vmem>>, %arg4: memref<5000x128xf32, #tpu.memory_space<vmem>>) attributes {dimension_semantics = [#tpu.dimension_semantics<arbitrary>], iteration_bounds = array<i64: 2>, scalar_prefetch = 0 : i64, scratch_operands = 0 : i64, tpu.core_type = #tpu.core_type<tc>, window_params = [{transform_indices = @transform_0, window_bounds = array<i64: 1, 5120, 128>}, {transform_indices = @transform_1, window_bounds = array<i64: 1, 16, 5120>}, {transform_indices = @transform_2, window_bounds = array<i64: 1, 16, 5120>}, {transform_indices = @transform_3, window_bounds = array<i64: 5000, 128>}]} {
    %get3A = arith.constant 0 : index
    %get3A_0 = arith.constant 0 : index
    %get3A_1 = arith.constant 0 : index
    %get3A_2 = vector.load %arg1[%get3A, %get3A_0, %get3A_1] : memref<1x5120x128xf32, #tpu.memory_space<vmem>>, vector<1x5120x128xf32>
    %get3A_3 = vector.shape_cast %get3A_2 : vector<1x5120x128xf32> to vector<5120x128xf32>
    %get3A_4 = arith.constant 0 : index
    %get3A_5 = arith.constant 0 : index
    %get3A_6 = arith.constant 0 : index
    %get3A_7 = vector.load %arg2[%get3A_4, %get3A_5, %get3A_6] : memref<1x16x5120xf32, #tpu.memory_space<vmem>>, vector<1x16x5120xf32>
    %get3A_8 = vector.shape_cast %get3A_7 : vector<1x16x5120xf32> to vector<16x5120xf32>
    %reduce_sum3A = arith.constant dense<0.000000e+00> : vector<5120xf32>
    %reduce_sum3A_9 = vector.multi_reduction <add>, %get3A_8, %reduce_sum3A [0] : vector<16x5120xf32> to vector<5120xf32>
    %get3A_10 = arith.constant 0 : index
    %get3A_11 = arith.constant 0 : index
    %get3A_12 = arith.constant 0 : index
    %get3A_13 = vector.load %arg3[%get3A_10, %get3A_11, %get3A_12] : memref<1x16x5120xf32, #tpu.memory_space<vmem>>, vector<1x16x5120xf32>
    %get3A_14 = vector.shape_cast %get3A_13 : vector<1x16x5120xf32> to vector<16x5120xf32>
    %reduce_sum3A_15 = arith.constant dense<0.000000e+00> : vector<5120xf32>
    %reduce_sum3A_16 = vector.multi_reduction <add>, %get3A_14, %reduce_sum3A_15 [0] : vector<16x5120xf32> to vector<5120xf32>
    %max3A = arith.constant 9.99999935E-39 : f32
    %max3A_17 = vector.broadcast %max3A : f32 to vector<5120xf32>
    %max3A_18 = arith.maximumf %reduce_sum3A_9, %max3A_17 : vector<5120xf32>
    %max3A_19 = arith.constant 1.000000e+00 : f32
    %max3A_20 = vector.broadcast %max3A_19 : f32 to vector<5120xf32>
    %max3A_21 = arith.maximumf %reduce_sum3A_16, %max3A_20 : vector<5120xf32>
    %mul3A = arith.mulf %max3A_18, %max3A_21 : vector<5120xf32>
    %div3A = arith.constant 1.000000e+00 : f32
    %div3A_22 = vector.broadcast %div3A : f32 to vector<5120xf32>
    %div3A_23 = arith.divf %div3A_22, %mul3A : vector<5120xf32>
    %broadcast_in_dim3A = vector.shape_cast %div3A_23 : vector<5120xf32> to vector<5120x1xf32>
    %mul3A_24 = vector.broadcast %broadcast_in_dim3A : vector<5120x1xf32> to vector<5120x128xf32>
    %mul3A_25 = arith.mulf %get3A_3, %mul3A_24 : vector<5120x128xf32>
    %slice3A = vector.extract_strided_slice %mul3A_25 {offsets = [0, 0], sizes = [5000, 128], strides = [1, 1]} : vector<5120x128xf32> to vector<5000x128xf32>
    %swap3A = arith.constant 0 : index
    %swap3A_26 = arith.constant 0 : index
    %swap3A_27 = vector.load %arg4[%swap3A, %swap3A_26] : memref<5000x128xf32, #tpu.memory_space<vmem>>, vector<5000x128xf32>
    tpu.vector_store %arg4[%swap3A, %swap3A_26], %slice3A {strides = array<i32>} : memref<5000x128xf32, #tpu.memory_space<vmem>>, vector<5000x128xf32>,
    return
  }
  func.func @transform_0(%arg0: i32) -> (i32, i32, i32) {
    %c0_i32 = arith.constant 0 : i32
    %c0_i32_0 = arith.constant 0 : i32
    %c0_i32_1 = arith.constant 0 : i32
    return %arg0, %c0_i32, %c0_i32_0 : i32, i32, i32
  }
  func.func @transform_1(%arg0: i32) -> (i32, i32, i32) {
    %c0_i32 = arith.constant 0 : i32
    %c0_i32_0 = arith.constant 0 : i32
    %c0_i32_1 = arith.constant 0 : i32
    return %arg0, %c0_i32, %c0_i32_0 : i32, i32, i32
  }
  func.func @transform_2(%arg0: i32) -> (i32, i32, i32) {
    %c0_i32 = arith.constant 0 : i32
    %c0_i32_0 = arith.constant 0 : i32
    %c0_i32_1 = arith.constant 0 : i32
    return %arg0, %c0_i32, %c0_i32_0 : i32, i32, i32
  }
  func.func @transform_3(%arg0: i32) -> (i32, i32) {
    %c0_i32 = arith.constant 0 : i32
    %c0_i32_0 = arith.constant 0 : i32
    return %arg0, %c0_i32 : i32, i32
  }
}

</mosaic_0001>

<sc_bundles>
// kernel: kernel.5.cloned.1.call-start
scs
__scs_entry_jumppad:
0x0: {  	(pc) =	sbr.rel $0x88, $3  }
0x1: {  	(tag) =	ssettag $0x0;
	lr =	simm.s32 $0x1  }
0x2: {  	[smem:$0x3F9B] =	sst lr;
	_ =	strace $0xD0000000  }
0x3: {  	_ = 	snop  }
0x4: {  	_ = 	snop  }
0x5: {  	_ = 	snop  }
0x6: {  	_ = 	snop  }
0x7: {  	_ = 	snop  }
__scs_overlays_trampoline_lowered:
0x8: {  	[smem:$0x3FAA] =	sst s0  }
0x9: {  	[smem:$0x3FAB] =	sst s1  }
0xa: {  	[smem:$0x3FAC] =	sst s2  }
0xb: {  	[smem:$0x3FAD] =	sst s3  }
0xc: {  	[smem:$0x3FAE] =	sst s4  }
0xd: {  	[smem:$0x3FAF] =	sst s5  }
0xe: {  	[smem:$0x3FB0] =	sst s6  }
0xf: {  	[smem:$0x3FB1] =	sst s7  }
0x10: {  	[smem:$0x3FB2] =	sst s8  }
0x11: {  	[smem:$0x3FB3] =	sst s9;
	s0 =	simm.s32 @!p0 $0x0  }
0x12: {  	s1 =	sld [smem:$0x3F99];
	s0 =	simm.s32 @p0 $0x1  }
0x13: {  	[smem:$0x3FB4] =	sst s0;
	s0 =	simm.s32 @!p1 $0x0  }
0x14: {  	s2 =	sld [smem:$0x3F98];
	s0 =	simm.s32 @p1 $0x1  }
0x15: {  	[smem:$0x3FB5] =	sst s0;
	s0 =	simm.s32 @!p2 $0x0  }
0x16: {  	s3 =	sld [smem:$0x3FDB];
	s0 =	simm.s32 @p2 $0x1  }
0x17: {  	s4 =	simm.s32 $0x1BF5;
	[smem:$0x3FB7] =	sst s0  }
0x18: {  	s0 =	sld [smem:$0x3F9A];
	_ =	swait.ge [sflag:s4], $0x0  }
0x19: {  	s7 =	sld [smem:$0x3F9B]  }
0x1a: {  	s8 =	sadd.s32 $0xFFFFE003, lr  }
0x1b: {  	s9 =	sadd.s32 $0xFFFFFEF7, lr;
	s5 =	simm.s32 $0xFFFFFFFF;
	p2 =	slt.u32 s8, $0xFFFFF086  }
0x1c: {  	p1 =	slt.u32 s9, $0xF7A;
	s5 =	simm.s32 @!p2 $0x0  }
0x1d: {  	s5 =	simm.s32 @p1 $0x1;
	p0 =	seq.s32 s7, s2  }
0x1e: {  	s7 =	smul.u32 @!p0 $0xF7A, s2;
	p2 =	seq.s32 @!p0 s5, $0x0  }
0x1f: {  	s9 =	smul.u32 $0xF7A, s1;
	s8 =	simm.s32 @!p0 $0x1BF5;
	p2 =	por !p2, p0  }
0x20: {  	[sflag:s8] =	ssyncset.s32 @!p0 $0xFFFFF086;
	s6 =	sadd.s32 @!p0 s3, s7;
	s7 =	simm.s32 @!p0 $0x108  }
0x21: {  	s3 =	sadd.s32 s3, s9;
	s6 =	sadd.s32 @!p0 $0x88, s6;
	s7 =	simm.s32 @p2 $0x1082  }
0x22: {  	[simem:s7], [sflag:s8] =	dma.local @!p0 [hbm:s6], $0xF7A  }
0x23: {  	s9 =	sor.u32 $0xD0000000, s2;
	s6 =	simm.s32 $0x108;
	_ =	swait.ge @!p0 [sflag:s8], $0x0  }
0x24: {  	s3 =	sadd.s32 $0x88, s3;
	s6 =	simm.s32 @!p1 $0x1082;
	[sflag:s4] =	ssyncset.s32 $0xFFFFF086  }
0x25: {  	[simem:s6], [sflag:s4] =	dma.local [hbm:s3], $0xF7A  }
0x26: {  	[smem:$0x3F9B] =	sst s1;
	(tag) =	ssettag s2;
	_ =	strace s9  }
0x27: {  	s1 =	sld [smem:$0x3FAB]  }
0x28: {  	s2 =	sld [smem:$0x3FAC]  }
0x29: {  	s4 =	sld [smem:$0x3FAE]  }
0x2a: {  	p0 =	seq.s32 s5, $0x0;
	s5 =	sld [smem:$0x3FAF]  }
0x2b: {  	s6 =	sld [smem:$0x3FB0]  }
0x2c: {  	s7 =	sld [smem:$0x3FB1]  }
0x2d: {  	s3 =	simm.s32 $0x108;
	s8 =	sld [smem:$0x3FB2]  }
0x2e: {  	s3 =	simm.s32 @!p0 $0x1082;
	s9 =	sld [smem:$0x3FB3]  }
0x2f: {  	lr =	sadd.s32 s0, s3;
	s0 =	sld [smem:$0x3FAA]  }
0x30: {  	s3 =	sld [smem:$0x3FAD]  }
0x31: {  	[smem:$0x3FB6] =	sst s10  }
0x32: {  	s10 =	sld [smem:$0x3FB4];
	_ =	sdelay $0x3  }
0x33: {  	p0 =	seq.s32 s10, $0x1;
	s10 =	sld [smem:$0x3FB6];
	_ =	sdelay $0x3  }
0x34: {  	[smem:$0x3FB6] =	sst s10  }
0x35: {  	s10 =	sld [smem:$0x3FB5];
	_ =	sdelay $0x3  }
0x36: {  	p1 =	seq.s32 s10, $0x1;
	s10 =	sld [smem:$0x3FB6];
	_ =	sdelay $0x3  }
0x37: {  	[smem:$0x3FB6] =	sst s10  }
0x38: {  	s10 =	sld [smem:$0x3FB7]  }
0x39: {  	_ = 	snop;
	(pc) =	sbr.ind lr, $3  }
0x3a: {  	_ = 	snop  }
0x3b: {  	_ = 	snop  }
0x3c: {  	p2 =	seq.s32 s10, $0x1;
	s10 =	sld [smem:$0x3FB6]  }
0x3d: {  	_ =	shalt  }
0x3e: {  	_ =	shalt  }
0x3f: {  	_ =	shalt  }
0x40: {  	_ =	shalt  }
0x41: {  	_ =	shalt  }
0x42: {  	_ =	shalt  }
0x43: {  	_ =	shalt  }
0x44: {  	_ =	shalt  }
0x45: {  	_ =	shalt  }
0x46: {  	_ =	shalt  }
0x47: {  	_ =	shalt  }
0x48: {  	_ =	shalt  }
0x49: {  	_ =	shalt  }
0x4a: {  	_ =	shalt  }
0x4b: {  	_ =	shalt  }
0x4c: {  	_ =	shalt  }
0x4d: {  	_ =	shalt  }
0x4e: {  	_ =	shalt  }
0x4f: {  	_ =	shalt  }
0x50: {  	_ =	shalt  }
0x51: {  	_ =	shalt  }
0x52: {  	_ =	shalt  }
0x53: {  	_ =	shalt  }
0x54: {  	_ =	shalt  }
0x55: {  	_ =	shalt  }
0x56: {  	_ =	shalt  }
0x57: {  	_ =	shalt  }
0x58: {  	_ =	shalt  }
0x59: {  	_ =	shalt  }
0x5a: {  	_ =	shalt  }
0x5b: {  	_ =	shalt  }
0x5c: {  	_ =	shalt  }
0x5d: {  	_ =	shalt  }
0x5e: {  	_ =	shalt  }
0x5f: {  	_ =	shalt  }
0x60: {  	_ =	shalt  }
0x61: {  	_ =	shalt  }
0x62: {  	_ =	shalt  }
0x63: {  	_ =	shalt  }
0x64: {  	_ =	shalt  }
0x65: {  	_ =	shalt  }
0x66: {  	_ =	shalt  }
0x67: {  	_ =	shalt  }
0x68: {  	_ =	shalt  }
0x69: {  	_ =	shalt  }
0x6a: {  	_ =	shalt  }
0x6b: {  	_ =	shalt  }
0x6c: {  	_ =	shalt  }
0x6d: {  	_ =	shalt  }
0x6e: {  	_ =	shalt  }
0x6f: {  	_ =	shalt  }
0x70: {  	_ =	shalt  }
0x71: {  	_ =	shalt  }
0x72: {  	_ =	shalt  }
0x73: {  	_ =	shalt  }
0x74: {  	_ =	shalt  }
0x75: {  	_ =	shalt  }
0x76: {  	_ =	shalt  }
0x77: {  	_ =	shalt  }
0x78: {  	_ =	shalt  }
0x79: {  	_ =	shalt  }
0x7a: {  	_ =	shalt  }
0x7b: {  	_ =	shalt  }
0x7c: {  	_ =	shalt  }
0x7d: {  	_ =	shalt  }
0x7e: {  	_ =	shalt  }
0x7f: {  	_ =	shalt  }
0x80: {  	_ =	shalt  }
0x81: {  	_ =	shalt  }
0x82: {  	_ =	shalt  }
0x83: {  	_ =	shalt  }
0x84: {  	_ =	shalt  }
0x85: {  	_ =	shalt  }
0x86: {  	_ =	shalt  }
0x87: {  	_ =	shalt  }
.Lfunc_end0:
.L_simem_size_0:
called_computation_lowered:
.L_overlay_start_0:
0x88: {  	s2 =	sld [smem:$0x3FD9]  }
0x89: {  	s3 =	sld [smem:$0x3FFE];
	_ =	sdelay $0x1  }
0x8a: {  	s1 =	srdreg.scid  }
0x8b: {  	s0 =	sand.u32 $0x1, s1  }
0x8c: {  	s17 =	sshll.u32 s0, $0xA;
	s2 =	sadd.s32 s3, s2  }
0x8d: {  	s2 =	sadd.s32 s2, s17  }
0x8e: {  	[smem:$0x3FC2] =	sst s2  }
0x8f: {  	_ = 	snop  }
0x90: {  	s2 =	sld [smem:$0x3FC9]  }
0x91: {  	s18 =	sld [smem:$0x3FD0];
	(tm) =	ssettm $0x1  }
0x92: {  	s4 =	sld [smem:$0x3FFB];
	_ =	sdelay $0x3  }
0x93: {  	_ =	strace s4  }
0x94: {  	s4 =	sld [smem:$0x3FFC];
	_ =	sdelay $0x3  }
0x95: {  	_ =	strace s4  }
0x96: {  	s4 =	sld [smem:$0x3FFD];
	_ =	sdelay $0x3  }
0x97: {  	_ =	strace s4  }
0x98: {  	_ =	strace $0x8FFFFFFF  }
0x99: {  	s19 =	sld [smem:$0x3FDB];
	_ =	sdelay $0x1  }
0x9a: {  	s5 =	simm.s32 $_scs_section_size  }
0x9b: {  	s6 =	simm.s32 $_size__tile_overlayer_lowered;
	s7 =	simm.s32 $_tile_overlayer_lowered  }
0x9c: {  	s22 =	simm.s32 $0x1BFF;
	s21 =	sshll.u32 s7, $0x1;
	s4 =	sadd.s32 s5, s19  }
0x9d: {  	s8 =	simm.s32 $0x0;
	s20 =	sshll.u32 s6, $0x1;
	s6 =	sadd.s32 s21, s4  }
0x9e: {  	[timem:s8], [sflag:s22] =	dma.local [hbm:s6], s20  }
0x9f: {  	_ =	swait.ge [sflag:s22], s20  }
0xa0: {  	s5 =	ssub.s32 $0x0, s20;
	[sflag:s22] =	ssyncset.done $0x0  }
0xa1: {  	[sflag:s22] =	ssyncadd.s32 s5;
	_ =	sdelay $0x1  }
0xa2: {  	s23 =	simm.s32 $0x1B8B  }
0xa3: {  	_ =	swait.ge [sflag:s23], $0x1  }
0xa4: {  	[sflag:s23] =	ssyncset.done $0x0  }
0xa5: {  	s25 =	simm.s32 $0x1B8E;
	s24 =	sld [smem:$0x3FFE];
	[sflag:s23] =	ssyncadd.s32 $0xFFFFFFFF  }
0xa6: {  	s26 =	simm.s32 $execute0_lowered;
	[smem:$0x3FD2] =	sst s25  }
0xa7: {  	s6 =	sshll.u32 s26, $0x1;
	_ =	strace $0x80000046;
	[dreg:$0x1] =	wrdreg $0xFFFFFFFF  }
0xa8: {  	s28 =	simm.s32 $_size_execute0_lowered;
	s4 =	sadd.s32 s4, s6;
	[dreg:$0x0] =	wrdreg $0x0  }
0xa9: {  	s6 =	sshll.u32 s28, $0x1;
	[dreg:$0x2] =	wrdreg s4  }
0xaa: {  	[dreg:$0x3] =	wrdreg s6  }
0xab: {  	[dreg:$0x4] =	wrdreg $0xC0  }
0xac: {  	_ =	task [dreg:s8], $0x5FFFF  }
0xad: {  	[dreg:$0x1] =	wrdreg $0xFFFFFFFF  }
0xae: {  	[dreg:$0x0] =	wrdreg $0x60  }
0xaf: {  	[dreg:$0x2] =	wrdreg s2  }
0xb0: {  	[dreg:$0x3] =	wrdreg s24  }
0xb1: {  	[dreg:$0x4] =	wrdreg s18  }
0xb2: {  	[dreg:$0x5] =	wrdreg $0x12C000  }
0xb3: {  	[dreg:$0x6] =	wrdreg $0x9  }
0xb4: {  	_ =	task.clear_ibuf [dreg:s8], $0x7FFFF;
	_ =	strace $0x90000046  }
0xb5: {  	s29 =	simm.s32 $0x9;
	_ =	strace $0x80000048  }
0xb6: {  	_ =	swait.ge [sflag:s29], $0x1  }
0xb7: {  	[sflag:s29] =	ssyncadd.s32 $0xFFFFFFFF  }
0xb8: {  	_ =	strace $0x90000048  }
0xb9: {  	_ =	sfence  }
0xba: {  	s30 =	sld [smem:$0x0];
	_ =	sdelay $0x2  }
0xbb: {  	s31 =	sshll.u32 s1, $0xD;
	s1 =	sshrl.u32 s1, $0x2  }
0xbc: {  	s3 =	sand.u32 $0x4000, s31;
	s1 =	sadd.s32 s1, s30  }
0xbd: {  	s0 =	sor.u32 s3, s0;
	s1 =	sshll.u32 s1, $0x11  }
0xbe: {  	s0 =	sor.u32 s1, s0  }
0xbf: {  	s0 =	sadd.s32 $0x8F2B, s0  }
0xc0: {  	[sflag:s0] =	ssyncadd.remote.s32 $0x1  }
0xc1: {  	_ =	sfence.sel $0xFFFF  }
0xc2: {  	[dreg:$0x0] =	wrdreg $0xFFFFFFFF;
	(pc) =	sbr.abs _section_cstart, $3  }
0xc3: {  	[dreg:$0x1] =	wrdreg $0xFFFFFFFF  }
0xc4: {  	_ =	task.clear_ibuf [dreg:s8], $0x2FFFF;
	_ =	strace $0x9FFFFFFF  }
0xc5: {  	(tm) =	ssettm $0x7FFFFFFF  }
tec
execute0_lowered:
.L_overlay_start_1:
0x0: {  	(tag) =	ssettag $0x1  }
0x1: {  	s1 =	rddreg [dreg:$0x0]  }
0x2: {  	s0 =	rddreg [dreg:$0x1]  }
0x3: {  	s7 =	rddreg [dreg:$0x2];
	s2 =	srdreg.scid  }
0x4: {  	s3 =	rddreg [dreg:$0x3];
	s6 =	sand.u32 $0x1, s2  }
0x5: {  	s2 =	stileid.u32;
	s8 =	smul.u32 $0x14000, s6  }
0x6: {  	s4 =	simm.s32 $0x0;
	s28 =	simm.s32 $0x8000;
	s17 =	smul.u32 $0x140, s2  }
0x7: {  	s29 =	simm.s32 $0x2;
	s30 =	simm.s32 $0x10400;
	s13 =	smul.u32 $0x28000, s2  }
0x8: {  	s31 =	simm.s32 $0x11800;
	s16 =	ssub.s32 $0x2, s6;
	s6 =	smul.u32 $0x1388, s6  }
0x9: {  	[smem:$0x7FF] =	sst s4;
	s5 =	sshrl.u32 s2, $0x3;
	s20 =	smul.u32 $0x1400, s2  }
0xa: {  	_ =	strace $0x80000047;
	s10 =	sshll.u32 s2, $0x7;
	s9 =	smul.u32 $0xA000, s5  }
0xb: {  	s5 =	sadd.s32 $0x1400, s0;
	s15 =	sand.u32 $0x380, s10;
	s12 =	sshrl.u32 s16, $0x1  }
0xc: {  	s11 =	sadd.s32 s8, s0;
	s18 =	ssub.s32 s16, s12;
	s19 =	sadd.s32 $0x40, s17  }
0xd: {  	s21 =	sshrl.u32 s13, $0x2;
	s24 =	sadd.s32 $0x80, s17;
	s10 =	sadd.s32 $0x100, s17  }
0xe: {  	s16 =	sshll.u32 s2, $0x5;
	s8 =	sadd.s32 s8, s9;
	s22 =	sshll.u32 s19, $0x7  }
0xf: {  	s12 =	sadd.s32 s21, s3;
	s25 =	sshll.u32 s24, $0x7;
	s14 =	sshll.u32 s10, $0x7  }
0x10: {  	s9 =	sshll.u32 s19, $0x4;
	s10 =	sshll.u32 s10, $0x4;
	s21 =	smax.u32 s18, $0x1  }
0x11: {  	s18 =	simm.s32 $0x7;
	s19 =	simm.s32 $0x10000;
	s8 =	sor.u32 s15, s8  }
0x12: {  	[dreg:$0x5] =	wrdreg s12;
	s23 =	sadd.s32 s22, s3;
	s15 =	sadd.s32 $0xC0, s17  }
0x13: {  	s13 =	sadd.s32 s25, s3;
	s14 =	sadd.s32 s14, s3;
	[dreg:$0xd] =	wrdreg s21  }
0x14: {  	s17 =	sadd.s32 $0x4E3400, s11;
	s12 =	sshll.u32 s24, $0x4;
	[dreg:$0x6] =	wrdreg s23  }
0x15: {  	s21 =	simm.s32 $0x4000;
	s8 =	sshrl.u32 s8, $0x3;
	[dreg:$0x7] =	wrdreg s13  }
0x16: {  	s26 =	sshll.u32 s15, $0x7;
	[dreg:$0x9] =	wrdreg s14;
	s14 =	sadd.s32 $0x1388, s6  }
0x17: {  	s15 =	sshll.u32 s15, $0x4;
	s22 =	sadd.s32 s20, s17;
	s23 =	sadd.s32 s9, s17  }
0x18: {  	s24 =	sadd.s32 s12, s17;
	s12 =	simm.s32 $0x40;
	[dreg:$0xe] =	wrdreg s22  }
0x19: {  	s20 =	simm.s32 $0x4;
	s9 =	simm.s32 $0x0;
	[dreg:$0xf] =	wrdreg s23  }
0x1a: {  	s0 =	sadd.s32 s8, s0;
	s13 =	sadd.s32 s26, s3;
	[dreg:$0x10] =	wrdreg s24  }
0x1b: {  	s25 =	sadd.s32 s15, s17;
	s26 =	sadd.s32 s10, s17;
	s17 =	simm.s32 $0x2000  }
0x1c: {  	v0 =	vlaneseq.u32;
	s22 =	simm.s32 $0xC000;
	s23 =	simm.s32 $0x10300;
	[dreg:$0x8] =	wrdreg s13  }
.Ltmp0:
0x1d: {  	v0 =	vmul.u32 $0x80, v0;
	s24 =	simm.s32 $0x10380;
	[dreg:$0x11] =	wrdreg s25;
	(pc) =	sbr.rel .LBB2_1-.Ltmp0, $4  }
0x1e: {  	v2 =	vimm.f32 $0.0e+00;
	s13 =	sadd.s32 s7, s16;
	s16 =	sadd.s32 $0x50B400, s0;
	[dreg:$0x12] =	wrdreg s26  }
0x1f: {  	v3 =	vimm.f32 $1.000000000e+00;
	v4 =	vor.u32 $0x800, v0;
	v5 =	vor.u32 $0x1000, v0;
	s0 =	sadd.s32 $0x510400, s0;
	s25 =	simm.s32 $0x3;
	[dreg:$0xa] =	wrdreg s13  }
0x20: {  	v6 =	vor.u32 $0x1800, v0;
	v7 =	vor.u32 $0x2000, v0;
	v8 =	vor.u32 $0x2800, v0;
	s26 =	simm.s32 $0x10100;
	s13 =	sadd.s32 $0x200, s7;
	[dreg:$0xb] =	wrdreg s16  }
0x21: {  	v9 =	vor.u32 $0x3000, v0;
	v10 =	vor.u32 $0x3800, v0;
	v1 =	vmov s6;
	[dreg:$0xc] =	wrdreg s0;
	s0 =	simm.s32 $0x1;
	s7 =	simm.s32 $0x6000  }
.LBB2_17:
0x22: {  	_ =	swait.ge [sflag:s25], $0x100  }
0x23: {  	p0 =	seq.s32 s11, $0x0;
	[sflag:s25] =	ssyncset.done $0x0  }
0x24: {  	s8 =	simm.s32 @!p0 $0x5;
	[sflag:s25] =	ssyncadd.s32 $0xFFFFFF00  }
0x25: {  	_ =	swait.ge @!p0 [sflag:s8], $0x2000  }
0x26: {  	[sflag:s8] =	ssyncset.done @!p0 $0x0  }
0x27: {  	[sflag:s8] =	ssyncadd.s32 @!p0 $0xFFFFE000  }
0x28: {  	_ =	swait.ge @!p0 [sflag:s8], $0x2000  }
0x29: {  	p1 =	seq.s32 s10, $0x0;
	[sflag:s8] =	ssyncset.done @!p0 $0x0  }
0x2a: {  	[sflag:s8] =	ssyncadd.s32 @!p0 $0xFFFFE000;
	s8 =	simm.s32 @!p1 $0x6  }
0x2b: {  	_ =	swait.ge @!p1 [sflag:s8], $0x2000  }
0x2c: {  	[sflag:s8] =	ssyncset.done @!p1 $0x0  }
0x2d: {  	[sflag:s8] =	ssyncadd.s32 @!p1 $0xFFFFE000  }
0x2e: {  	_ =	swait.ge @!p1 [sflag:s8], $0x2000  }
0x2f: {  	[sflag:s8] =	ssyncset.done @!p1 $0x0  }
0x30: {  	[sflag:s8] =	ssyncadd.s32 @!p1 $0xFFFFE000  }
0x31: {  	[bflag:$0x0] =	sbarrier.arrive $0xFFFF  }
0x32: {  	s15 =	rddreg [dreg:$0x5]  }
0x33: {  	[tilespmem:s4], [sflag:$0x7] =	stream.linear.gather [spmem:s15], $0x2000, $0x38;
	[tilespmem:$0x1CC00] =	vst v63  }
0x34: {  	_ =	swait.ge [sflag:s18], $0x2000  }
0x35: {  	[sflag:s18] =	ssyncset.done $0x0  }
0x36: {  	s16 =	rddreg [dreg:$0xe];
	[sflag:s18] =	ssyncadd.s32 $0xFFFFE000  }
0x37: {  	[hbm4b:s16+s4] =	stream.linear.scatter [tilespmem:s4], [sflag:$0x7], $0x2000, $0x38;
	[tilespmem:$0x1CC00] =	vst v63  }
0x38: {  	_ =	swait.ge [sflag:s18], $0x2000  }
0x39: {  	[sflag:s18] =	ssyncset.done $0x0  }
0x3a: {  	s9 =	rddreg [dreg:$0x6];
	[sflag:s18] =	ssyncadd.s32 $0xFFFFE000  }
0x3b: {  	[tilespmem:s4], [sflag:$0x7] =	stream.linear.gather [spmem:s9], $0x2000, $0x38;
	[tilespmem:$0x1CC00] =	vst v63  }
0x3c: {  	_ =	swait.ge [sflag:s18], $0x2000  }
0x3d: {  	[sflag:s18] =	ssyncset.done $0x0  }
0x3e: {  	s10 =	rddreg [dreg:$0xf];
	[sflag:s18] =	ssyncadd.s32 $0xFFFFE000  }
0x3f: {  	[hbm4b:s10+s4] =	stream.linear.scatter [tilespmem:s4], [sflag:$0x7], $0x2000, $0x38;
	[tilespmem:$0x1CC00] =	vst v63  }
0x40: {  	_ =	swait.ge [sflag:s18], $0x2000  }
0x41: {  	[sflag:s18] =	ssyncset.done $0x0  }
0x42: {  	s11 =	rddreg [dreg:$0x7];
	[sflag:s18] =	ssyncadd.s32 $0xFFFFE000  }
0x43: {  	[tilespmem:s4], [sflag:$0x7] =	stream.linear.gather [spmem:s11], $0x2000, $0x38;
	[tilespmem:$0x1CC00] =	vst v63  }
0x44: {  	_ =	swait.ge [sflag:s18], $0x2000  }
0x45: {  	[sflag:s18] =	ssyncset.done $0x0  }
0x46: {  	s15 =	rddreg [dreg:$0x10];
	[sflag:s18] =	ssyncadd.s32 $0xFFFFE000  }
0x47: {  	[hbm4b:s15+s4] =	stream.linear.scatter [tilespmem:s4], [sflag:$0x7], $0x2000, $0x38;
	[tilespmem:$0x1CC00] =	vst v63  }
0x48: {  	_ =	swait.ge [sflag:s18], $0x2000  }
0x49: {  	[sflag:s18] =	ssyncset.done $0x0  }
0x4a: {  	s16 =	rddreg [dreg:$0x8];
	[sflag:s18] =	ssyncadd.s32 $0xFFFFE000  }
0x4b: {  	[tilespmem:s4], [sflag:$0x7] =	stream.linear.gather [spmem:s16], $0x2000, $0x38;
	[tilespmem:$0x1CC00] =	vst v63  }
0x4c: {  	_ =	swait.ge [sflag:s18], $0x2000  }
0x4d: {  	[sflag:s18] =	ssyncset.done $0x0  }
0x4e: {  	s9 =	rddreg [dreg:$0x11];
	[sflag:s18] =	ssyncadd.s32 $0xFFFFE000  }
0x4f: {  	[hbm4b:s9+s4] =	stream.linear.scatter [tilespmem:s4], [sflag:$0x7], $0x2000, $0x38;
	[tilespmem:$0x1CC00] =	vst v63  }
0x50: {  	_ =	swait.ge [sflag:s18], $0x2000  }
0x51: {  	[sflag:s18] =	ssyncset.done $0x0  }
0x52: {  	s10 =	rddreg [dreg:$0x9];
	[sflag:s18] =	ssyncadd.s32 $0xFFFFE000  }
0x53: {  	[tilespmem:s4], [sflag:$0x7] =	stream.linear.gather [spmem:s10], $0x2000, $0x38;
	[tilespmem:$0x1CC00] =	vst v63  }
0x54: {  	_ =	swait.ge [sflag:s18], $0x2000  }
0x55: {  	[sflag:s18] =	ssyncset.done $0x0  }
0x56: {  	s11 =	rddreg [dreg:$0x12];
	[sflag:s18] =	ssyncadd.s32 $0xFFFFE000  }
0x57: {  	[hbm4b:s11+s4] =	stream.linear.scatter [tilespmem:s4], [sflag:$0x7], $0x2000, $0x38;
	[tilespmem:$0x1CC00] =	vst v63  }
0x58: {  	_ =	swait.ge [sflag:s18], $0x2000  }
0x59: {  	s16 =	simm.s32 $0x400;
	[sflag:s18] =	ssyncset.done $0x0  }
0x5a: {  	s9 =	simm.s32 $0x80;
	s15 =	rddreg [dreg:$0xb];
	[sflag:s18] =	ssyncadd.s32 $0xFFFFE000  }
0x5b: {  	[hbm4b:s15+s9] =	stream.strided.scatter [tilespmem:s30], [sflag:$0x7], $0x1400, s16, s9, $0x38;
	[tilespmem:$0x1CC00] =	vst v63  }
0x5c: {  	_ =	swait.ge [sflag:s18], $0x1400  }
0x5d: {  	[sflag:s18] =	ssyncset.done $0x0  }
0x5e: {  	s11 =	rddreg [dreg:$0xc];
	[sflag:s18] =	ssyncadd.s32 $0xFFFFEC00  }
0x5f: {  	[hbm4b:s11+s9] =	stream.strided.scatter [tilespmem:s31], [sflag:$0x7], $0x1400, s16, s9, $0x38;
	[tilespmem:$0x1CC00] =	vst v63  }
0x60: {  	_ =	swait.ge [sflag:s18], $0x1400  }
0x61: {  	s15 =	rddreg [dreg:$0x13]  }
0x62: {  	s16 =	rddreg [dreg:$0xd];
	s9 =	sadd.s32 $0x1, s15  }
0x63: {  	p0 =	sne.s32 s9, s16  }
.Ltmp1:
0x64: {  	_ = 	snop;
	(pc) =	sbr.rel @!p0 .LBB2_18-.Ltmp1, $3  }
0x65: {  	_ =	sdelay $0x1  }
0x66: {  	[sflag:s18] =	ssyncset.done $0x0  }
0x67: {  	[sflag:s18] =	ssyncadd.s32 $0xFFFFEC00  }
.LBB2_1:
0x68: {  	[dreg:$0x13] =	wrdreg s9;
	s8 =	simm.s32 $0x0;
	s9 =	simm.s32 $0x200  }
.LBB2_2:
0x69: {  	p0 =	sne.s32 s9, $0x7E00;
	[tilespmem:s8+$0x70] =	vst v2  }
0x6a: {  	[tilespmem:s8+$0x0] =	vst v2  }
0x6b: {  	[tilespmem:s8+$0x10] =	vst v2  }
.Ltmp2:
0x6c: {  	[tilespmem:s8+$0x20] =	vst v2;
	(pc) =	sbr.rel @p0 .LBB2_2-.Ltmp2, $4  }
0x6d: {  	[tilespmem:s8+$0x30] =	vst v2  }
0x6e: {  	[tilespmem:s8+$0x40] =	vst v2  }
0x6f: {  	[tilespmem:s8+$0x50] =	vst v2  }
0x70: {  	[tilespmem:s8+$0x60] =	vst v2;
	s8 =	sshra.s32 s9, $0x2;
	s9 =	sadd.s32 $0x200, s9  }
0x71: {  	[tilespmem:s8+$0x70] =	vst v2  }
0x72: {  	[tilespmem:s8+$0x0] =	vst v2  }
0x73: {  	[tilespmem:s8+$0x10] =	vst v2  }
0x74: {  	[tilespmem:s8+$0x20] =	vst v2  }
0x75: {  	[tilespmem:s8+$0x30] =	vst v2  }
0x76: {  	[tilespmem:s8+$0x40] =	vst v2  }
0x77: {  	[tilespmem:s8+$0x50] =	vst v2  }
0x78: {  	[tilespmem:s8+$0x60] =	vst v2;
	s8 =	simm.s32 $0x40;
	s9 =	simm.s32 $0x0  }
.LBB2_4:
0x79: {  	p0 =	sne.s32 s8, $0x4FC0;
	[tilespmem:s9+$0x10400] =	vst v2;
	s10 =	smov.u32 s8;
	s8 =	sadd.s32 $0x40, s8  }
.Ltmp3:
0x7a: {  	[tilespmem:s9+$0x11800] =	vst v2;
	(pc) =	sbr.rel @p0 .LBB2_4-.Ltmp3, $2  }
0x7b: {  	_ =	sdelay $0x2  }
0x7c: {  	s9 =	sshra.s32 s10, $0x2  }
0x7d: {  	[tilespmem:s9+$0x10400] =	vst v2  }
0x7e: {  	[tilespmem:s9+$0x11800] =	vst v2;
	s10 =	simm.s32 $0x0;
	s8 =	rddreg [dreg:$0x5]  }
0x7f: {  	[spmem:s8] =	stream.linear.scatter [tilespmem:s10], [sflag:$0x7], $0x2000, $0x38;
	[tilespmem:$0x1CC00] =	vst v63  }
0x80: {  	_ =	swait.ge [sflag:s18], $0x2000  }
0x81: {  	[sflag:s18] =	ssyncset.done $0x0  }
0x82: {  	s16 =	rddreg [dreg:$0x6];
	[sflag:s18] =	ssyncadd.s32 $0xFFFFE000  }
0x83: {  	[spmem:s16] =	stream.linear.scatter [tilespmem:s10], [sflag:$0x7], $0x2000, $0x38;
	[tilespmem:$0x1CC00] =	vst v63  }
0x84: {  	_ =	swait.ge [sflag:s18], $0x2000  }
0x85: {  	[sflag:s18] =	ssyncset.done $0x0  }
0x86: {  	s9 =	rddreg [dreg:$0x7];
	[sflag:s18] =	ssyncadd.s32 $0xFFFFE000  }
0x87: {  	[spmem:s9] =	stream.linear.scatter [tilespmem:s10], [sflag:$0x7], $0x2000, $0x38;
	[tilespmem:$0x1CC00] =	vst v63  }
0x88: {  	_ =	swait.ge [sflag:s18], $0x2000  }
0x89: {  	[sflag:s18] =	ssyncset.done $0x0  }
0x8a: {  	s11 =	rddreg [dreg:$0x8];
	[sflag:s18] =	ssyncadd.s32 $0xFFFFE000  }
0x8b: {  	[spmem:s11] =	stream.linear.scatter [tilespmem:s10], [sflag:$0x7], $0x2000, $0x38;
	[tilespmem:$0x1CC00] =	vst v63  }
0x8c: {  	_ =	swait.ge [sflag:s18], $0x2000  }
0x8d: {  	[sflag:s18] =	ssyncset.done $0x0  }
0x8e: {  	s15 =	rddreg [dreg:$0x9];
	[sflag:s18] =	ssyncadd.s32 $0xFFFFE000  }
0x8f: {  	[spmem:s15] =	stream.linear.scatter [tilespmem:s10], [sflag:$0x7], $0x2000, $0x38;
	[tilespmem:$0x1CC00] =	vst v63  }
0x90: {  	_ =	swait.ge [sflag:s18], $0x2000  }
.Ltmp4:
0x91: {  	[sflag:s18] =	ssyncset.done $0x0;
	(pc) =	sbr.rel .LBB2_6-.Ltmp4, $4  }
0x92: {  	[sflag:s18] =	ssyncadd.s32 $0xFFFFE000  }
0x93: {  	[bflag:$0x0] =	sbarrier.arrive $0xFFFF  }
0x94: {  	s9 =	simm.s32 $0x0;
	s11 =	simm.s32 $0x0;
	s16 =	rddreg [dreg:$0xa]  }
0x95: {  	[tilespmem:s19], [sflag:$0x3] =	stream.linear.gather [hbm4b:s16+s10], $0x100, $0x38;
	[tilespmem:$0x1CC00] =	vst v63  }
.LBB2_12:
0x96: {  	s10 =	smov.u32 @p0 s10  }
.LBB2_16:
0x97: {  	s9 =	sadd.s32 $0x1, s9  }
0x98: {  	p0 =	sne.s32 s9, $0x4F  }
.Ltmp5:
0x99: {  	_ = 	snop;
	(pc) =	sbr.rel @!p0 .LBB2_17-.Ltmp5, $1  }
0x9a: {  	_ =	sdelay $0x3  }
.LBB2_6:
0x9b: {  	s8 =	sshll.u32 s9, $0x5  }
0x9c: {  	_ =	swait.ge [sflag:s25], $0x100;
	s8 =	sor.u32 s2, s8  }
0x9d: {  	[sflag:s25] =	ssyncset.done $0x0;
	s15 =	sshll.u32 s8, $0x5  }
0x9e: {  	[sflag:s25] =	ssyncadd.s32 $0xFFFFFF00;
	s15 =	sadd.s32 s15, s13  }
0x9f: {  	[tilespmem:s26], [sflag:$0x4] =	stream.linear.gather [hbm4b:s15+s4], $0x100, $0x38;
	[tilespmem:$0x1CC00] =	vst v63  }
0xa0: {  	v11 =	vld [tilespmem:$0x10000]  }
0xa1: {  	v12 =	vld [tilespmem:$0x100B0];
	_ =	sdelay $0x3  }
0xa2: {  	(v2sf) =	vpush v11, $0x0  }
0xa3: {  	(v2sf) =	vpush v12, $0xF;
	_ =	sdelay $0xd  }
0xa4: {  	s15 =	spop (v2sf)  }
0xa5: {  	s16 =	spop (v2sf);
	p0 =	sge.s32 s15, s14  }
0xa6: {  	p1 =	slt.s32 @!p0 s16, s6  }
0xa7: {  	p1 =	por p0, p1  }
.Ltmp6:
0xa8: {  	_ = 	snop;
	(pc) =	sbr.rel @p1 .LBB2_7-.Ltmp6, $1  }
0xa9: {  	_ =	sdelay $0x3  }
0xaa: {  	p0 =	seq.s32 s11, $0x0  }
0xab: {  	s11 =	simm.s32 @!p0 $0x5  }
0xac: {  	_ =	swait.ge @!p0 [sflag:s11], $0x2000  }
0xad: {  	[sflag:s11] =	ssyncset.done @!p0 $0x0  }
0xae: {  	[sflag:s11] =	ssyncadd.s32 @!p0 $0xFFFFE000  }
0xaf: {  	_ =	swait.ge @!p0 [sflag:s11], $0x2000  }
0xb0: {  	s15 =	sshll.u32 s8, $0xB;
	[sflag:s11] =	ssyncset.done @!p0 $0x0  }
0xb1: {  	s16 =	simm.s32 $0x0;
	[sflag:s11] =	ssyncadd.s32 @!p0 $0xFFFFE000;
	s11 =	sadd.s32 s1, s15  }
0xb2: {  	[tilespmem:s16], [sflag:$0x1] =	stream.linear.gather [hbm4b:s11+s16], $0x4000, $0x38;
	[tilespmem:$0x1CC00] =	vst v63  }
0xb3: {  	s15 =	sadd.s32 s5, s15  }
0xb4: {  	[tilespmem:s28], [sflag:$0x2] =	stream.linear.gather [hbm4b:s15+s16], $0x4000, $0x38;
	[tilespmem:$0x1CC00] =	vst v63  }
0xb5: {  	_ =	swait.ge [sflag:s29], $0x4000  }
0xb6: {  	[sflag:s29] =	ssyncset.done $0x0  }
0xb7: {  	[sflag:s29] =	ssyncadd.s32 $0xFFFFC000  }
0xb8: {  	v11 =	vld [tilespmem:$0x10000];
	_ =	sdelay $0x4  }
0xb9: {  	v11 =	vsub.s32 v11, v1  }
0xba: {  	v11 =	vmin.u32 v11, $0x1388  }
0xbb: {  	[tilespmem:$0x10200] =	vst v11  }
0xbc: {  	v12 =	vld.idx.msk [tilespmem:v0+s28+$0x0], $0xffff;
	_ =	sdelay $0x4  }
0xbd: {  	[tilespmem:v11+s30+$0x0] =	vst.idx.add.f32.msk $0xffff, v12  }
0xbe: {  	[tilespmem:v11+s31+$0x0] =	vst.idx.add.f32.msk $0xffff, v3  }
0xbf: {  	v11 =	vld [tilespmem:$0x10010];
	_ =	sdelay $0x4  }
0xc0: {  	v11 =	vsub.s32 v11, v1  }
0xc1: {  	v11 =	vmin.u32 v11, $0x1388  }
0xc2: {  	[tilespmem:$0x10210] =	vst v11  }
0xc3: {  	v12 =	vld.idx.msk [tilespmem:v4+s28+$0x0], $0xffff;
	_ =	sdelay $0x4  }
0xc4: {  	[tilespmem:v11+s30+$0x0] =	vst.idx.add.f32.msk $0xffff, v12  }
0xc5: {  	[tilespmem:v11+s31+$0x0] =	vst.idx.add.f32.msk $0xffff, v3  }
0xc6: {  	v11 =	vld [tilespmem:$0x10020];
	_ =	sdelay $0x4  }
0xc7: {  	v11 =	vsub.s32 v11, v1  }
0xc8: {  	v11 =	vmin.u32 v11, $0x1388  }
0xc9: {  	[tilespmem:$0x10220] =	vst v11  }
0xca: {  	v12 =	vld.idx.msk [tilespmem:v5+s28+$0x0], $0xffff;
	_ =	sdelay $0x4  }
0xcb: {  	[tilespmem:v11+s30+$0x0] =	vst.idx.add.f32.msk $0xffff, v12  }
0xcc: {  	[tilespmem:v11+s31+$0x0] =	vst.idx.add.f32.msk $0xffff, v3  }
0xcd: {  	v11 =	vld [tilespmem:$0x10030];
	_ =	sdelay $0x4  }
0xce: {  	v11 =	vsub.s32 v11, v1  }
0xcf: {  	v11 =	vmin.u32 v11, $0x1388  }
0xd0: {  	[tilespmem:$0x10230] =	vst v11  }
0xd1: {  	v12 =	vld.idx.msk [tilespmem:v6+s28+$0x0], $0xffff;
	_ =	sdelay $0x4  }
0xd2: {  	[tilespmem:v11+s30+$0x0] =	vst.idx.add.f32.msk $0xffff, v12  }
0xd3: {  	[tilespmem:v11+s31+$0x0] =	vst.idx.add.f32.msk $0xffff, v3  }
0xd4: {  	v11 =	vld [tilespmem:$0x10080];
	_ =	sdelay $0x4  }
0xd5: {  	v11 =	vsub.s32 v11, v1  }
0xd6: {  	v11 =	vmin.u32 v11, $0x1388  }
0xd7: {  	[tilespmem:$0x10280] =	vst v11  }
0xd8: {  	v12 =	vld.idx.msk [tilespmem:v7+s28+$0x0], $0xffff;
	_ =	sdelay $0x4  }
0xd9: {  	[tilespmem:v11+s30+$0x0] =	vst.idx.add.f32.msk $0xffff, v12  }
0xda: {  	[tilespmem:v11+s31+$0x0] =	vst.idx.add.f32.msk $0xffff, v3  }
0xdb: {  	v11 =	vld [tilespmem:$0x10090];
	_ =	sdelay $0x4  }
0xdc: {  	v11 =	vsub.s32 v11, v1  }
0xdd: {  	v11 =	vmin.u32 v11, $0x1388  }
0xde: {  	[tilespmem:$0x10290] =	vst v11  }
0xdf: {  	v12 =	vld.idx.msk [tilespmem:v8+s28+$0x0], $0xffff;
	_ =	sdelay $0x4  }
0xe0: {  	[tilespmem:v11+s30+$0x0] =	vst.idx.add.f32.msk $0xffff, v12  }
0xe1: {  	[tilespmem:v11+s31+$0x0] =	vst.idx.add.f32.msk $0xffff, v3  }
0xe2: {  	v11 =	vld [tilespmem:$0x100A0];
	_ =	sdelay $0x4  }
0xe3: {  	v11 =	vsub.s32 v11, v1  }
0xe4: {  	v11 =	vmin.u32 v11, $0x1388  }
0xe5: {  	[tilespmem:$0x102A0] =	vst v11  }
0xe6: {  	v12 =	vld.idx.msk [tilespmem:v9+s28+$0x0], $0xffff;
	_ =	sdelay $0x4  }
0xe7: {  	[tilespmem:v11+s30+$0x0] =	vst.idx.add.f32.msk $0xffff, v12  }
0xe8: {  	[tilespmem:v11+s31+$0x0] =	vst.idx.add.f32.msk $0xffff, v3  }
0xe9: {  	v11 =	vld [tilespmem:$0x100B0];
	_ =	sdelay $0x4  }
0xea: {  	v11 =	vsub.s32 v11, v1  }
0xeb: {  	v11 =	vmin.u32 v11, $0x1388  }
0xec: {  	[tilespmem:$0x102B0] =	vst v11  }
0xed: {  	v12 =	vld.idx.msk [tilespmem:v10+s28+$0x0], $0xffff;
	_ =	sdelay $0x4  }
0xee: {  	[tilespmem:v11+s30+$0x0] =	vst.idx.add.f32.msk $0xffff, v12  }
0xef: {  	[tilespmem:v11+s31+$0x0] =	vst.idx.add.f32.msk $0xffff, v3  }
0xf0: {  	_ =	swait.ge [sflag:s0], $0x4000  }
0xf1: {  	[sflag:s0] =	ssyncset.done $0x0  }
0xf2: {  	s11 =	simm.s32 $0x0;
	[sflag:s0] =	ssyncadd.s32 $0xFFFFC000  }
0xf3: {  	v11 =	vld [tilespmem:s11+$0x8000]  }
0xf4: {  	v15 =	vld [tilespmem:s11+$0x0]  }
0xf5: {  	v17 =	vld [tilespmem:s11+$0x10]  }
0xf6: {  	v16 =	vld [tilespmem:s11+$0x20]  }
0xf7: {  	v14 =	vld [tilespmem:s11+$0x30]  }
0xf8: {  	v12 =	vld [tilespmem:s11+$0x40]  }
0xf9: {  	v13 =	vld [tilespmem:s11+$0x50];
	v18 =	vmul.f32 v15, v11  }
0xfa: {  	s15 =	simm.s32 $0x200;
	v17 =	vmul.f32 v17, v11;
	v15 =	vld [tilespmem:s11+$0x60]  }
.LBB2_9:
0xfb: {  	s16 =	sshra.s32 s15, $0x2;
	p0 =	sne.s32 s15, $0xFE00;
	[tilespmem:s11+$0x0] =	vst v18;
	v16 =	vmul.f32 v16, v11;
	v18 =	vld [tilespmem:s11+$0x70]  }
0xfc: {  	v19 =	vld [tilespmem:s16+$0x8000];
	[tilespmem:s11+$0x10] =	vst v17;
	v14 =	vmul.f32 v14, v11  }
0xfd: {  	v17 =	vld [tilespmem:s16+$0x0];
	[tilespmem:s11+$0x20] =	vst v16;
	v12 =	vmul.f32 v12, v11  }
0xfe: {  	v20 =	vld [tilespmem:s16+$0x10];
	[tilespmem:s11+$0x30] =	vst v14;
	v13 =	vmul.f32 v13, v11  }
.Ltmp7:
0xff: {  	v16 =	vld [tilespmem:s16+$0x20];
	[tilespmem:s11+$0x40] =	vst v12;
	v15 =	vmul.f32 v15, v11;
	(pc) =	sbr.rel @p0 .LBB2_9-.Ltmp7, $4  }
0x100: {  	v14 =	vld [tilespmem:s16+$0x30];
	[tilespmem:s11+$0x50] =	vst v13;
	v21 =	vmul.f32 v18, v11  }
0x101: {  	v12 =	vld [tilespmem:s16+$0x40];
	[tilespmem:s11+$0x60] =	vst v15;
	v11 =	vmov v19  }
0x102: {  	v18 =	vmul.f32 v17, v11;
	v13 =	vld [tilespmem:s16+$0x50];
	[tilespmem:s11+$0x70] =	vst v21;
	s11 =	smov.u32 s16  }
0x103: {  	s15 =	sadd.s32 $0x200, s15;
	v17 =	vmul.f32 v20, v11;
	v15 =	vld [tilespmem:s11+$0x60]  }
0x104: {  	[tilespmem:s11+$0x0] =	vst v18;
	v16 =	vmul.f32 v16, v11;
	v62 =	vld [tilespmem:s11+$0x70]  }
0x105: {  	[tilespmem:s11+$0x10] =	vst v17;
	v14 =	vmul.f32 v14, v11  }
0x106: {  	[tilespmem:s11+$0x20] =	vst v16;
	v12 =	vmul.f32 v12, v11  }
0x107: {  	[tilespmem:s11+$0x30] =	vst v14;
	v13 =	vmul.f32 v13, v11  }
0x108: {  	[tilespmem:s11+$0x40] =	vst v12;
	v63 =	vmul.f32 v15, v11  }
0x109: {  	[tilespmem:s11+$0x50] =	vst v13;
	v11 =	vmul.f32 v62, v11  }
.Ltmp8:
0x10a: {  	[tilespmem:s11+$0x60] =	vst v63;
	(pc) =	sbr.rel .LBB2_11-.Ltmp8, $4  }
0x10b: {  	s15 =	simm.s32 $0x10200;
	[tilespmem:s11+$0x70] =	vst v11  }
0x10c: {  	[spmem:s3] =	stream.indirect.scatter.add.f32 [tilespmem:s4], [sflag:$0x5], $0x80, s15, s12, $0xb8;
	[tilespmem:$0x1CC00] =	vst v63  }
0x10d: {  	s16 =	simm.s32 $0x10280;
	s11 =	simm.s32 $0x2  }
0x10e: {  	[spmem:s3] =	stream.indirect.scatter.add.f32 [tilespmem:s17], [sflag:$0x5], $0x80, s16, s12, $0xb8;
	[tilespmem:$0x1CC00] =	vst v63  }
.LBB2_7:
0x10f: {  	s11 =	smov.u32 @p0 s11  }
.LBB2_11:
0x110: {  	s8 =	sor.u32 $0x10, s8;
	_ =	swait.ge [sflag:s20], $0x100  }
0x111: {  	[sflag:s20] =	ssyncset.done $0x0;
	s15 =	sshll.u32 s8, $0x5  }
0x112: {  	[sflag:s20] =	ssyncadd.s32 $0xFFFFFF00;
	s15 =	sadd.s32 s15, s13  }
0x113: {  	[tilespmem:s19], [sflag:$0x3] =	stream.linear.gather [hbm4b:s15+s4], $0x100, $0x38;
	[tilespmem:$0x1CC00] =	vst v63  }
0x114: {  	v11 =	vld [tilespmem:$0x10100]  }
0x115: {  	v12 =	vld [tilespmem:$0x101B0];
	_ =	sdelay $0x3  }
0x116: {  	(v2sf) =	vpush v11, $0x0  }
0x117: {  	(v2sf) =	vpush v12, $0xF;
	_ =	sdelay $0xd  }
0x118: {  	s15 =	spop (v2sf)  }
0x119: {  	s16 =	spop (v2sf);
	p0 =	sge.s32 s15, s14  }
0x11a: {  	p1 =	slt.s32 @!p0 s16, s6  }
0x11b: {  	p1 =	por p0, p1  }
.Ltmp9:
0x11c: {  	_ = 	snop;
	(pc) =	sbr.rel @p1 .LBB2_12-.Ltmp9, $1  }
0x11d: {  	_ =	sdelay $0x3  }
0x11e: {  	p0 =	seq.s32 s10, $0x0  }
0x11f: {  	s10 =	simm.s32 @!p0 $0x6  }
0x120: {  	_ =	swait.ge @!p0 [sflag:s10], $0x2000  }
0x121: {  	[sflag:s10] =	ssyncset.done @!p0 $0x0  }
0x122: {  	[sflag:s10] =	ssyncadd.s32 @!p0 $0xFFFFE000  }
0x123: {  	_ =	swait.ge @!p0 [sflag:s10], $0x2000  }
0x124: {  	s8 =	sshll.u32 s8, $0xB;
	[sflag:s10] =	ssyncset.done @!p0 $0x0  }
0x125: {  	s15 =	simm.s32 $0x0;
	s16 =	sadd.s32 s1, s8;
	[sflag:s10] =	ssyncadd.s32 @!p0 $0xFFFFE000  }
0x126: {  	[tilespmem:s21], [sflag:$0x1] =	stream.linear.gather [hbm4b:s16+s15], $0x4000, $0x38;
	[tilespmem:$0x1CC00] =	vst v63  }
0x127: {  	s8 =	sadd.s32 s5, s8  }
0x128: {  	[tilespmem:s22], [sflag:$0x2] =	stream.linear.gather [hbm4b:s8+s15], $0x4000, $0x38;
	[tilespmem:$0x1CC00] =	vst v63  }
0x129: {  	_ =	swait.ge [sflag:s29], $0x4000  }
0x12a: {  	[sflag:s29] =	ssyncset.done $0x0  }
0x12b: {  	[sflag:s29] =	ssyncadd.s32 $0xFFFFC000  }
0x12c: {  	v11 =	vld [tilespmem:$0x10100];
	_ =	sdelay $0x4  }
0x12d: {  	v11 =	vsub.s32 v11, v1  }
0x12e: {  	v11 =	vmin.u32 v11, $0x1388  }
0x12f: {  	[tilespmem:$0x10300] =	vst v11  }
0x130: {  	v12 =	vld.idx.msk [tilespmem:v0+s22+$0x0], $0xffff;
	_ =	sdelay $0x4  }
0x131: {  	[tilespmem:v11+s30+$0x0] =	vst.idx.add.f32.msk $0xffff, v12  }
0x132: {  	[tilespmem:v11+s31+$0x0] =	vst.idx.add.f32.msk $0xffff, v3  }
0x133: {  	v11 =	vld [tilespmem:$0x10110];
	_ =	sdelay $0x4  }
0x134: {  	v11 =	vsub.s32 v11, v1  }
0x135: {  	v11 =	vmin.u32 v11, $0x1388  }
0x136: {  	[tilespmem:$0x10310] =	vst v11  }
0x137: {  	v12 =	vld.idx.msk [tilespmem:v4+s22+$0x0], $0xffff;
	_ =	sdelay $0x4  }
0x138: {  	[tilespmem:v11+s30+$0x0] =	vst.idx.add.f32.msk $0xffff, v12  }
0x139: {  	[tilespmem:v11+s31+$0x0] =	vst.idx.add.f32.msk $0xffff, v3  }
0x13a: {  	v11 =	vld [tilespmem:$0x10120];
	_ =	sdelay $0x4  }
0x13b: {  	v11 =	vsub.s32 v11, v1  }
0x13c: {  	v11 =	vmin.u32 v11, $0x1388  }
0x13d: {  	[tilespmem:$0x10320] =	vst v11  }
0x13e: {  	v12 =	vld.idx.msk [tilespmem:v5+s22+$0x0], $0xffff;
	_ =	sdelay $0x4  }
0x13f: {  	[tilespmem:v11+s30+$0x0] =	vst.idx.add.f32.msk $0xffff, v12  }
0x140: {  	[tilespmem:v11+s31+$0x0] =	vst.idx.add.f32.msk $0xffff, v3  }
0x141: {  	v11 =	vld [tilespmem:$0x10130];
	_ =	sdelay $0x4  }
0x142: {  	v11 =	vsub.s32 v11, v1  }
0x143: {  	v11 =	vmin.u32 v11, $0x1388  }
0x144: {  	[tilespmem:$0x10330] =	vst v11  }
0x145: {  	v12 =	vld.idx.msk [tilespmem:v6+s22+$0x0], $0xffff;
	_ =	sdelay $0x4  }
0x146: {  	[tilespmem:v11+s30+$0x0] =	vst.idx.add.f32.msk $0xffff, v12  }
0x147: {  	[tilespmem:v11+s31+$0x0] =	vst.idx.add.f32.msk $0xffff, v3  }
0x148: {  	v11 =	vld [tilespmem:$0x10180];
	_ =	sdelay $0x4  }
0x149: {  	v11 =	vsub.s32 v11, v1  }
0x14a: {  	v11 =	vmin.u32 v11, $0x1388  }
0x14b: {  	[tilespmem:$0x10380] =	vst v11  }
0x14c: {  	v12 =	vld.idx.msk [tilespmem:v7+s22+$0x0], $0xffff;
	_ =	sdelay $0x4  }
0x14d: {  	[tilespmem:v11+s30+$0x0] =	vst.idx.add.f32.msk $0xffff, v12  }
0x14e: {  	[tilespmem:v11+s31+$0x0] =	vst.idx.add.f32.msk $0xffff, v3  }
0x14f: {  	v11 =	vld [tilespmem:$0x10190];
	_ =	sdelay $0x4  }
0x150: {  	v11 =	vsub.s32 v11, v1  }
0x151: {  	v11 =	vmin.u32 v11, $0x1388  }
0x152: {  	[tilespmem:$0x10390] =	vst v11  }
0x153: {  	v12 =	vld.idx.msk [tilespmem:v8+s22+$0x0], $0xffff;
	_ =	sdelay $0x4  }
0x154: {  	[tilespmem:v11+s30+$0x0] =	vst.idx.add.f32.msk $0xffff, v12  }
0x155: {  	[tilespmem:v11+s31+$0x0] =	vst.idx.add.f32.msk $0xffff, v3  }
0x156: {  	v11 =	vld [tilespmem:$0x101A0];
	_ =	sdelay $0x4  }
0x157: {  	v11 =	vsub.s32 v11, v1  }
0x158: {  	v11 =	vmin.u32 v11, $0x1388  }
0x159: {  	[tilespmem:$0x103A0] =	vst v11  }
0x15a: {  	v12 =	vld.idx.msk [tilespmem:v9+s22+$0x0], $0xffff;
	_ =	sdelay $0x4  }
0x15b: {  	[tilespmem:v11+s30+$0x0] =	vst.idx.add.f32.msk $0xffff, v12  }
0x15c: {  	[tilespmem:v11+s31+$0x0] =	vst.idx.add.f32.msk $0xffff, v3  }
0x15d: {  	v11 =	vld [tilespmem:$0x101B0];
	_ =	sdelay $0x4  }
0x15e: {  	v11 =	vsub.s32 v11, v1  }
0x15f: {  	v11 =	vmin.u32 v11, $0x1388  }
0x160: {  	[tilespmem:$0x103B0] =	vst v11  }
0x161: {  	v12 =	vld.idx.msk [tilespmem:v10+s22+$0x0], $0xffff;
	_ =	sdelay $0x4  }
0x162: {  	[tilespmem:v11+s30+$0x0] =	vst.idx.add.f32.msk $0xffff, v12  }
0x163: {  	[tilespmem:v11+s31+$0x0] =	vst.idx.add.f32.msk $0xffff, v3  }
0x164: {  	_ =	swait.ge [sflag:s0], $0x4000  }
0x165: {  	[sflag:s0] =	ssyncset.done $0x0  }
0x166: {  	s8 =	simm.s32 $0x0;
	[sflag:s0] =	ssyncadd.s32 $0xFFFFC000  }
0x167: {  	v11 =	vld [tilespmem:s8+$0xC000]  }
0x168: {  	v15 =	vld [tilespmem:s8+$0x4000]  }
0x169: {  	v17 =	vld [tilespmem:s8+$0x4010]  }
0x16a: {  	v16 =	vld [tilespmem:s8+$0x4020]  }
0x16b: {  	v14 =	vld [tilespmem:s8+$0x4030]  }
0x16c: {  	v12 =	vld [tilespmem:s8+$0x4040]  }
0x16d: {  	v13 =	vld [tilespmem:s8+$0x4050];
	v18 =	vmul.f32 v15, v11  }
0x16e: {  	s10 =	simm.s32 $0x200;
	v17 =	vmul.f32 v17, v11;
	v15 =	vld [tilespmem:s8+$0x4060]  }
.LBB2_14:
0x16f: {  	s15 =	sshra.s32 s10, $0x2;
	p0 =	sne.s32 s10, $0xFE00;
	[tilespmem:s8+$0x4000] =	vst v18;
	v16 =	vmul.f32 v16, v11;
	v18 =	vld [tilespmem:s8+$0x4070]  }
0x170: {  	v19 =	vld [tilespmem:s15+$0xC000];
	[tilespmem:s8+$0x4010] =	vst v17;
	v14 =	vmul.f32 v14, v11  }
0x171: {  	v17 =	vld [tilespmem:s15+$0x4000];
	[tilespmem:s8+$0x4020] =	vst v16;
	v12 =	vmul.f32 v12, v11  }
0x172: {  	v20 =	vld [tilespmem:s15+$0x4010];
	[tilespmem:s8+$0x4030] =	vst v14;
	v13 =	vmul.f32 v13, v11  }
.Ltmp10:
0x173: {  	v16 =	vld [tilespmem:s15+$0x4020];
	[tilespmem:s8+$0x4040] =	vst v12;
	v15 =	vmul.f32 v15, v11;
	(pc) =	sbr.rel @p0 .LBB2_14-.Ltmp10, $4  }
0x174: {  	v14 =	vld [tilespmem:s15+$0x4030];
	[tilespmem:s8+$0x4050] =	vst v13;
	v21 =	vmul.f32 v18, v11  }
0x175: {  	v12 =	vld [tilespmem:s15+$0x4040];
	[tilespmem:s8+$0x4060] =	vst v15;
	v11 =	vmov v19  }
0x176: {  	v18 =	vmul.f32 v17, v11;
	v13 =	vld [tilespmem:s15+$0x4050];
	[tilespmem:s8+$0x4070] =	vst v21;
	s8 =	smov.u32 s15  }
0x177: {  	s10 =	sadd.s32 $0x200, s10;
	v17 =	vmul.f32 v20, v11;
	v15 =	vld [tilespmem:s8+$0x4060]  }
0x178: {  	[tilespmem:s8+$0x4000] =	vst v18;
	v16 =	vmul.f32 v16, v11;
	v62 =	vld [tilespmem:s8+$0x4070]  }
0x179: {  	[tilespmem:s8+$0x4010] =	vst v17;
	v14 =	vmul.f32 v14, v11  }
0x17a: {  	[tilespmem:s8+$0x4020] =	vst v16;
	v12 =	vmul.f32 v12, v11  }
0x17b: {  	[tilespmem:s8+$0x4030] =	vst v14;
	v13 =	vmul.f32 v13, v11  }
0x17c: {  	[tilespmem:s8+$0x4040] =	vst v12;
	v63 =	vmul.f32 v15, v11  }
0x17d: {  	[tilespmem:s8+$0x4050] =	vst v13;
	v11 =	vmul.f32 v62, v11  }
.Ltmp11:
0x17e: {  	[tilespmem:s8+$0x4060] =	vst v63;
	(pc) =	sbr.rel .LBB2_16-.Ltmp11, $4  }
0x17f: {  	[tilespmem:s8+$0x4070] =	vst v11  }
0x180: {  	[spmem:s3] =	stream.indirect.scatter.add.f32 [tilespmem:s21], [sflag:$0x6], $0x80, s23, s12, $0xb8;
	[tilespmem:$0x1CC00] =	vst v63  }
0x181: {  	s10 =	simm.s32 $0x2  }
0x182: {  	[spmem:s3] =	stream.indirect.scatter.add.f32 [tilespmem:s7], [sflag:$0x6], $0x80, s24, s12, $0xb8;
	[tilespmem:$0x1CC00] =	vst v63  }
.LBB2_18:
0x183: {  	_ =	sfence.sel $0x180000  }
0x184: {  	[bflag:$0x0] =	sbarrier.arrive $0xFFFF  }
0x185: {  	_ =	strace $0x90000047  }
0x186: {  	[bflag:$0x2] =	sbarrier.arrive $0xFFFF  }
0x187: {  	p0 =	sne.s32 s2, $0x0;
	s0 =	rddreg [dreg:$0x4]  }
0x188: {  	s0 =	sadd.s32 @!p0 $0x100000, s0  }
0x189: {  	[sflag:s0] =	ssyncadd.tile.s32 @!p0 $0x1;
	_ =	shalt  }
.Lfunc_end2:
_tile_overlayer_lowered:
.L_overlay_start_2:
0x18a: {  	(tag) =	ssettag $0x2  }
0x18b: {  	s0 =	rddreg [dreg:$0x0];
	s2 =	stileid.u32  }
0x18c: {  	s1 =	rddreg [dreg:$0x1];
	p0 =	sne.s32 s2, $0x0  }
0x18d: {  	s3 =	rddreg [dreg:$0x2];
	[bflag:$0x3] =	sbarrier.arrive $0xFFFF;
	s2 =	simm.s32 @!p0 $0x1C07  }
0x18e: {  	[timem:s3], [sflag:s2] =	dma.local @!p0 [hbm:s0], s1  }
0x18f: {  	s0 =	simm.s32 @!p0 $0x7  }
0x190: {  	_ =	swait.ge @!p0 [sflag:s0], s1  }
0x191: {  	s1 =	ssub.s32 @!p0 $0x0, s1;
	[sflag:s0] =	ssyncset.done @!p0 $0x0  }
0x192: {  	[sflag:s0] =	ssyncadd.s32 @!p0 s1  }
0x193: {  	[bflag:$0x3] =	sbarrier.arrive $0xFFFF  }
0x194: {  	_ =	shalt  }

</sc_bundles>
